<compile_context>
chip_gen: v7x
topology: tpu7x:2x2x1
jax: 0.10.2.dev20260603
libtpu: 0.0.44.dev20260713+nightly
codegen_flags: <defaults>
</compile_context>

<pallas_src>
import functools

import jax
import jax.numpy as jnp
from jax import lax
from jax.experimental import pallas as pl
from jax.experimental.pallas import tpu as pltpu
from jax.experimental.pallas import tpu_sc as plsc

_NC = 2
_NS = 16
_L = 16
_NW = _NC * _NS

_T = 104000
_RB = 2000


def _sc_column_sums(x, start):
    N, D = x.shape
    assert (N - start) % _NW == 0 and D % _L == 0
    rows_w = (N - start) // _NW
    ch = 400
    while rows_w % ch:
        ch -= 1
    n_ch = rows_w // ch
    n_vec = D // _L

    mesh = plsc.VectorSubcoreMesh(core_axis_name="c", subcore_axis_name="s")

    @functools.partial(
        pl.kernel,
        out_type=jax.ShapeDtypeStruct((_NW, D), jnp.float32),
        mesh=mesh,
        compiler_params=pltpu.CompilerParams(use_tc_tiling_on_sc=False),
        scratch_types=[
            pltpu.VMEM((ch, D), jnp.float32),
            pltpu.VMEM((ch, D), jnp.float32),
            pltpu.VMEM((1, D), jnp.float32),
            pltpu.SemaphoreType.DMA,
            pltpu.SemaphoreType.DMA,
        ],
    )
    def colsum(x_hbm, out_hbm, buf0, buf1, acc_v, sem0, sem1):
        wid = lax.axis_index("s") * _NC + lax.axis_index("c")
        base = start + wid * rows_w
        bufs = (buf0, buf1)
        sems = (sem0, sem1)

        copies = [None, None]
        copies[0] = pltpu.async_copy(x_hbm.at[pl.ds(base, ch)], buf0, sem0)
        acc = tuple(jnp.zeros((_L,), jnp.float32) for _ in range(n_vec))
        for i in range(n_ch):
            b = i % 2
            nb = (i + 1) % 2
            if i + 1 < n_ch:
                copies[nb] = pltpu.async_copy(
                    x_hbm.at[pl.ds(base + (i + 1) * ch, ch)], bufs[nb], sems[nb]
                )
            copies[b].wait()
            buf = bufs[b]
            acc = plsc.parallel_loop(0, ch, carry=acc, unroll=8)(
                lambda r, a, buf=buf: tuple(
                    a[j] + buf[r, pl.ds(j * _L, _L)] for j in range(n_vec)
                )
            )

        for j in range(n_vec):
            acc_v[0, pl.ds(j * _L, _L)] = acc[j]
        pltpu.sync_copy(acc_v, out_hbm.at[pl.ds(wid, 1)])

    return colsum(x)


def _tc_colsum_kernel(x_ref, o_ref):
    @pl.when(pl.program_id(0) == 0)
    def _init():
        o_ref[...] = jnp.zeros_like(o_ref)

    o_ref[...] += jnp.sum(x_ref[...].reshape(-1, 8, o_ref.shape[1]), axis=0)


def _tc_column_sums(x, stop):
    D = x.shape[1]
    assert stop % _RB == 0 and _RB % 8 == 0
    return pl.pallas_call(
        _tc_colsum_kernel,
        grid=(stop // _RB,),
        in_specs=[pl.BlockSpec((_RB, D), lambda i: (i, 0))],
        out_specs=pl.BlockSpec((8, D), lambda i: (0, 0)),
        out_shape=jax.ShapeDtypeStruct((8, D), jnp.float32),
    )(x)


def _dot_t(a, w):
    return lax.dot_general(
        a, w, (((1,), (1,)), ((), ())), preferred_element_type=jnp.float32
    )


def _mlp_kernel(ps_ref, pt_ref, u_ref, w1_ref, b1_ref, w2_ref, b2_ref,
                w3_ref, b3_ref, o_ref, *, inv_n, inv_m, d_u):
    xs = (
        jnp.sum(ps_ref[...], axis=0, keepdims=True)
        + jnp.sum(pt_ref[...], axis=0, keepdims=True)
    )
    xr = xs * inv_n
    ur = jnp.sum(u_ref[...], axis=0, keepdims=True) * inv_m
    h = _dot_t(ur, w1_ref[:, :d_u]) + _dot_t(xr, w1_ref[:, d_u:]) + b1_ref[...]
    h = jnp.maximum(h, 0.0)
    h = jnp.maximum(_dot_t(h, w2_ref[...]) + b2_ref[...], 0.0)
    o_ref[...] = _dot_t(h, w3_ref[...]) + b3_ref[...]


def kernel(x, edge_index, edge_attr, u, batch, W1, b1, W2, b2, W3, b3):
    del edge_index, edge_attr, batch
    N = x.shape[0]
    M = u.shape[0]
    d_u = u.shape[1]

    partials_sc = _sc_column_sums(x, _T)
    partials_tc = _tc_column_sums(x, _T)

    mlp = functools.partial(_mlp_kernel, inv_n=1.0 / N, inv_m=1.0 / M, d_u=d_u)
    out = pl.pallas_call(
        mlp,
        out_shape=jax.ShapeDtypeStruct((1, W3.shape[0]), jnp.float32),
    )(partials_sc, partials_tc, u, W1, b1[None, :], W2, b2[None, :],
      W3, b3[None, :])
    return out

# --- scband reference (transcript-rebuilt; emitter-appended) ---
"""Pipeline reference for scband-global-model-6897717477417 (READ-ONLY COPY).

The authoritative reference and input builder live on the scoring server;
editing this copy changes nothing except your own understanding.
"""

import jax, jax.numpy as jnp
import numpy as np


def _scatter_mean(data, seg, num_segments):
    s = jax.ops.segment_sum(data, seg, num_segments=num_segments)
    cnt = jax.ops.segment_sum(jnp.ones((data.shape[0],), dtype=data.dtype), seg, num_segments=num_segments)
    return s / jnp.clip(cnt, 1.0)[:, None]


def setup_inputs(seed: int = 0) -> dict:
    key = jax.random.key(seed)
    ks = jax.random.split(key, 12)
    N = 320000
    d_x = 128
    d_u = 64
    E = 320000
    d_e = 16
    hidden = 256
    out_f = 128
    in_f = d_x + d_u  # 192
    x = jax.random.normal(ks[0], (N, d_x), dtype=jnp.float32)
    edge_index = jax.random.randint(ks[1], (2, E), 0, 10000, dtype=jnp.int32)
    edge_attr = jax.random.normal(ks[2], (E, d_e), dtype=jnp.float32)
    u = jax.random.normal(ks[3], (8, d_u), dtype=jnp.float32)
    batch = jnp.zeros((N,), dtype=jnp.int32)
    W1 = jax.random.normal(ks[4], (hidden, in_f), dtype=jnp.float32) * (1.0 / np.sqrt(in_f))
    b1 = jnp.zeros((hidden,), dtype=jnp.float32)
    W2 = jax.random.normal(ks[5], (hidden, hidden), dtype=jnp.float32) * (1.0 / np.sqrt(hidden))
    b2 = jnp.zeros((hidden,), dtype=jnp.float32)
    W3 = jax.random.normal(ks[6], (out_f, hidden), dtype=jnp.float32) * (1.0 / np.sqrt(hidden))
    b3 = jnp.zeros((out_f,), dtype=jnp.float32)
    return {"x": x, "edge_index": edge_index, "edge_attr": edge_attr, "u": u, "batch": batch,
            "W1": W1, "b1": b1, "W2": W2, "b2": b2, "W3": W3, "b3": b3}


def reference(x, edge_index, edge_attr, u, batch, W1, b1, W2, b2, W3, b3):
    # scatter_mean over batch segment ids (single graph -> num_segments = 1)
    xr = _scatter_mean(x, batch, 1)
    u_batch = jnp.zeros((u.shape[0],), dtype=jnp.int32)
    ur = _scatter_mean(u, u_batch, 1)
    out = jnp.concatenate([ur, xr], axis=1)
    h = jax.nn.relu(out @ W1.T + b1)
    h = jax.nn.relu(h @ W2.T + b2)
    return h @ W3.T + b3

if __name__ == "__main__":
    import jax
    _d = setup_inputs()
    print(jax.jit(kernel)(*tuple(_d.values())))

</pallas_src>

<mosaic_0001>
#map = affine_map<(d0, d1) -> (0, 0)>
module attributes {stable_mosaic.version = 14 : i64} {
  func.func @colsum(%arg0: i32, %arg1: i32, %arg2: memref<320000x128xf32, #tpu.memory_space<hbm>>, %arg3: memref<32x128xf32, #tpu.memory_space<hbm>>, %arg4: memref<375x128xf32, #tpu.memory_space<vmem>>, %arg5: memref<375x128xf32, #tpu.memory_space<vmem>>, %arg6: memref<1x128xf32, #tpu.memory_space<vmem>>, %arg7: memref<!tpu.dma_semaphore, #tpu.memory_space<semaphore_mem>>, %arg8: memref<!tpu.dma_semaphore, #tpu.memory_space<semaphore_mem>>) attributes {dimension_semantics = [#tpu.dimension_semantics<core_parallel>, #tpu.dimension_semantics<subcore_parallel>], iteration_bounds = array<i64: 2, 16>, scalar_prefetch = 0 : i64, scratch_operands = 5 : i64, tpu.core_type = #tpu.core_type<sc_vector_subcore>, window_params = [{transform_indices = #map}, {transform_indices = #map}]} {
    %mul3A = arith.constant 2 : i32
    %mul3A_0 = arith.muli %arg1, %mul3A : i32
    %add3A = arith.addi %mul3A_0, %arg0 : i32
    %mul3A_1 = arith.constant 6750 : i32
    %mul3A_2 = arith.muli %add3A, %mul3A_1 : i32
    %add3A_3 = arith.constant 104000 : i32
    %add3A_4 = arith.addi %add3A_3, %mul3A_2 : i32
    %dma_start3A = arith.constant 0 : i32
    %dma_start3A_5 = tpu.memref_slice %arg2[%add3A_4, %dma_start3A] : memref<320000x128xf32, #tpu.memory_space<hbm>> -> memref<375x128xf32, #tpu.memory_space<hbm>>
    %dma_start3A_6 = arith.constant 0 : i32
    %dma_start3A_7 = tpu.memref_slice %arg2[%add3A_4, %dma_start3A_6] : memref<320000x128xf32, #tpu.memory_space<hbm>> -> memref<375x128xf32, #tpu.memory_space<hbm>>
    tpu.enqueue_dma source(%dma_start3A_7 : memref<375x128xf32, #tpu.memory_space<hbm>>) target(%arg4 : memref<375x128xf32, #tpu.memory_space<vmem>>) target_semaphore(%arg7 : memref<!tpu.dma_semaphore, #tpu.memory_space<semaphore_mem>>)
    %broadcast_in_dim3A = arith.constant 0.000000e+00 : f32
    %broadcast_in_dim3A_8 = vector.broadcast %broadcast_in_dim3A : f32 to vector<16xf32>
    %broadcast_in_dim3A_9 = arith.constant 0.000000e+00 : f32
    %broadcast_in_dim3A_10 = vector.broadcast %broadcast_in_dim3A_9 : f32 to vector<16xf32>
    %broadcast_in_dim3A_11 = arith.constant 0.000000e+00 : f32
    %broadcast_in_dim3A_12 = vector.broadcast %broadcast_in_dim3A_11 : f32 to vector<16xf32>
    %broadcast_in_dim3A_13 = arith.constant 0.000000e+00 : f32
    %broadcast_in_dim3A_14 = vector.broadcast %broadcast_in_dim3A_13 : f32 to vector<16xf32>
    %broadcast_in_dim3A_15 = arith.constant 0.000000e+00 : f32
    %broadcast_in_dim3A_16 = vector.broadcast %broadcast_in_dim3A_15 : f32 to vector<16xf32>
    %broadcast_in_dim3A_17 = arith.constant 0.000000e+00 : f32
    %broadcast_in_dim3A_18 = vector.broadcast %broadcast_in_dim3A_17 : f32 to vector<16xf32>
    %broadcast_in_dim3A_19 = arith.constant 0.000000e+00 : f32
    %broadcast_in_dim3A_20 = vector.broadcast %broadcast_in_dim3A_19 : f32 to vector<16xf32>
    %broadcast_in_dim3A_21 = arith.constant 0.000000e+00 : f32
    %broadcast_in_dim3A_22 = vector.broadcast %broadcast_in_dim3A_21 : f32 to vector<16xf32>
    %add3A_23 = arith.constant 375 : i32
    %add3A_24 = arith.addi %add3A_4, %add3A_23 : i32
    %dma_start3A_25 = arith.constant 0 : i32
    %dma_start3A_26 = tpu.memref_slice %arg2[%add3A_24, %dma_start3A_25] : memref<320000x128xf32, #tpu.memory_space<hbm>> -> memref<375x128xf32, #tpu.memory_space<hbm>>
    %dma_start3A_27 = arith.constant 0 : i32
    %dma_start3A_28 = tpu.memref_slice %arg2[%add3A_24, %dma_start3A_27] : memref<320000x128xf32, #tpu.memory_space<hbm>> -> memref<375x128xf32, #tpu.memory_space<hbm>>
    tpu.enqueue_dma source(%dma_start3A_28 : memref<375x128xf32, #tpu.memory_space<hbm>>) target(%arg5 : memref<375x128xf32, #tpu.memory_space<vmem>>) target_semaphore(%arg8 : memref<!tpu.dma_semaphore, #tpu.memory_space<semaphore_mem>>)
    %dma_wait3A = arith.constant 0 : i32
    %dma_wait3A_29 = tpu.memref_slice %arg2[%add3A_4, %dma_wait3A] : memref<320000x128xf32, #tpu.memory_space<hbm>> -> memref<375x128xf32, #tpu.memory_space<hbm>>
    %dma_wait3A_30 = arith.constant 0 : i32
    %dma_wait3A_31 = tpu.memref_slice %arg2[%add3A_4, %dma_wait3A_30] : memref<320000x128xf32, #tpu.memory_space<hbm>> -> memref<375x128xf32, #tpu.memory_space<hbm>>
    tpu.wait_dma2 semaphore(%arg7 : memref<!tpu.dma_semaphore, #tpu.memory_space<semaphore_mem>>) src(%dma_wait3A_31 : memref<375x128xf32, #tpu.memory_space<hbm>>) dst(%arg4 : memref<375x128xf32, #tpu.memory_space<vmem>>)
    %parallel_loop3A = arith.constant 0 : i32
    %parallel_loop3A_32 = arith.constant 375 : i32
    %parallel_loop3A_33 = arith.constant 1 : i32
    %parallel_loop3A_34:8 = scf.for %parallel_loop3A_314 = %parallel_loop3A to %parallel_loop3A_32 step %parallel_loop3A_33 iter_args(%parallel_loop3A_315 = %broadcast_in_dim3A_8, %parallel_loop3A_316 = %broadcast_in_dim3A_10, %parallel_loop3A_317 = %broadcast_in_dim3A_12, %parallel_loop3A_318 = %broadcast_in_dim3A_14, %parallel_loop3A_319 = %broadcast_in_dim3A_16, %parallel_loop3A_320 = %broadcast_in_dim3A_18, %parallel_loop3A_321 = %broadcast_in_dim3A_20, %parallel_loop3A_322 = %broadcast_in_dim3A_22) -> (vector<16xf32>, vector<16xf32>, vector<16xf32>, vector<16xf32>, vector<16xf32>, vector<16xf32>, vector<16xf32>, vector<16xf32>)  : i32 {
      %parallel_loop3A_323 = arith.index_cast %parallel_loop3A_314 : i32 to index
      %parallel_loop3A_324 = arith.constant 0 : index
      %parallel_loop3A_325 = tpu.vector_load %arg4[%parallel_loop3A_323, %parallel_loop3A_324] {strides = array<i32>} : memref<375x128xf32, #tpu.memory_space<vmem>>, vector<1x16xf32>,
      %parallel_loop3A_326 = vector.shape_cast %parallel_loop3A_325 : vector<1x16xf32> to vector<16xf32>
      %parallel_loop3A_327 = arith.addf %parallel_loop3A_315, %parallel_loop3A_326 : vector<16xf32>
      %parallel_loop3A_328 = arith.index_cast %parallel_loop3A_314 : i32 to index
      %parallel_loop3A_329 = arith.constant 16 : index
      %parallel_loop3A_330 = tpu.vector_load %arg4[%parallel_loop3A_328, %parallel_loop3A_329] {strides = array<i32>} : memref<375x128xf32, #tpu.memory_space<vmem>>, vector<1x16xf32>,
      %parallel_loop3A_331 = vector.shape_cast %parallel_loop3A_330 : vector<1x16xf32> to vector<16xf32>
      %parallel_loop3A_332 = arith.addf %parallel_loop3A_316, %parallel_loop3A_331 : vector<16xf32>
      %parallel_loop3A_333 = arith.index_cast %parallel_loop3A_314 : i32 to index
      %parallel_loop3A_334 = arith.constant 32 : index
      %parallel_loop3A_335 = tpu.vector_load %arg4[%parallel_loop3A_333, %parallel_loop3A_334] {strides = array<i32>} : memref<375x128xf32, #tpu.memory_space<vmem>>, vector<1x16xf32>,
      %parallel_loop3A_336 = vector.shape_cast %parallel_loop3A_335 : vector<1x16xf32> to vector<16xf32>
      %parallel_loop3A_337 = arith.addf %parallel_loop3A_317, %parallel_loop3A_336 : vector<16xf32>
      %parallel_loop3A_338 = arith.index_cast %parallel_loop3A_314 : i32 to index
      %parallel_loop3A_339 = arith.constant 48 : index
      %parallel_loop3A_340 = tpu.vector_load %arg4[%parallel_loop3A_338, %parallel_loop3A_339] {strides = array<i32>} : memref<375x128xf32, #tpu.memory_space<vmem>>, vector<1x16xf32>,
      %parallel_loop3A_341 = vector.shape_cast %parallel_loop3A_340 : vector<1x16xf32> to vector<16xf32>
      %parallel_loop3A_342 = arith.addf %parallel_loop3A_318, %parallel_loop3A_341 : vector<16xf32>
      %parallel_loop3A_343 = arith.index_cast %parallel_loop3A_314 : i32 to index
      %parallel_loop3A_344 = arith.constant 64 : index
      %parallel_loop3A_345 = tpu.vector_load %arg4[%parallel_loop3A_343, %parallel_loop3A_344] {strides = array<i32>} : memref<375x128xf32, #tpu.memory_space<vmem>>, vector<1x16xf32>,
      %parallel_loop3A_346 = vector.shape_cast %parallel_loop3A_345 : vector<1x16xf32> to vector<16xf32>
      %parallel_loop3A_347 = arith.addf %parallel_loop3A_319, %parallel_loop3A_346 : vector<16xf32>
      %parallel_loop3A_348 = arith.index_cast %parallel_loop3A_314 : i32 to index
      %parallel_loop3A_349 = arith.constant 80 : index
      %parallel_loop3A_350 = tpu.vector_load %arg4[%parallel_loop3A_348, %parallel_loop3A_349] {strides = array<i32>} : memref<375x128xf32, #tpu.memory_space<vmem>>, vector<1x16xf32>,
      %parallel_loop3A_351 = vector.shape_cast %parallel_loop3A_350 : vector<1x16xf32> to vector<16xf32>
      %parallel_loop3A_352 = arith.addf %parallel_loop3A_320, %parallel_loop3A_351 : vector<16xf32>
      %parallel_loop3A_353 = arith.index_cast %parallel_loop3A_314 : i32 to index
      %parallel_loop3A_354 = arith.constant 96 : index
      %parallel_loop3A_355 = tpu.vector_load %arg4[%parallel_loop3A_353, %parallel_loop3A_354] {strides = array<i32>} : memref<375x128xf32, #tpu.memory_space<vmem>>, vector<1x16xf32>,
      %parallel_loop3A_356 = vector.shape_cast %parallel_loop3A_355 : vector<1x16xf32> to vector<16xf32>
      %parallel_loop3A_357 = arith.addf %parallel_loop3A_321, %parallel_loop3A_356 : vector<16xf32>
      %parallel_loop3A_358 = arith.index_cast %parallel_loop3A_314 : i32 to index
      %parallel_loop3A_359 = arith.constant 112 : index
      %parallel_loop3A_360 = tpu.vector_load %arg4[%parallel_loop3A_358, %parallel_loop3A_359] {strides = array<i32>} : memref<375x128xf32, #tpu.memory_space<vmem>>, vector<1x16xf32>,
      %parallel_loop3A_361 = vector.shape_cast %parallel_loop3A_360 : vector<1x16xf32> to vector<16xf32>
      %parallel_loop3A_362 = arith.addf %parallel_loop3A_322, %parallel_loop3A_361 : vector<16xf32>
      scf.yield %parallel_loop3A_327, %parallel_loop3A_332, %parallel_loop3A_337, %parallel_loop3A_342, %parallel_loop3A_347, %parallel_loop3A_352, %parallel_loop3A_357, %parallel_loop3A_362 : vector<16xf32>, vector<16xf32>, vector<16xf32>, vector<16xf32>, vector<16xf32>, vector<16xf32>, vector<16xf32>, vector<16xf32>
    } {sc.loop_unroll_factor = 8 : i64, sc.parallel_access}
    %add3A_35 = arith.constant 750 : i32
    %add3A_36 = arith.addi %add3A_4, %add3A_35 : i32
    %dma_start3A_37 = arith.constant 0 : i32
    %dma_start3A_38 = tpu.memref_slice %arg2[%add3A_36, %dma_start3A_37] : memref<320000x128xf32, #tpu.memory_space<hbm>> -> memref<375x128xf32, #tpu.memory_space<hbm>>
    %dma_start3A_39 = arith.constant 0 : i32
    %dma_start3A_40 = tpu.memref_slice %arg2[%add3A_36, %dma_start3A_39] : memref<320000x128xf32, #tpu.memory_space<hbm>> -> memref<375x128xf32, #tpu.memory_space<hbm>>
    tpu.enqueue_dma source(%dma_start3A_40 : memref<375x128xf32, #tpu.memory_space<hbm>>) target(%arg4 : memref<375x128xf32, #tpu.memory_space<vmem>>) target_semaphore(%arg7 : memref<!tpu.dma_semaphore, #tpu.memory_space<semaphore_mem>>)
    %dma_wait3A_41 = arith.constant 0 : i32
    %dma_wait3A_42 = tpu.memref_slice %arg2[%add3A_24, %dma_wait3A_41] : memref<320000x128xf32, #tpu.memory_space<hbm>> -> memref<375x128xf32, #tpu.memory_space<hbm>>
    %dma_wait3A_43 = arith.constant 0 : i32
    %dma_wait3A_44 = tpu.memref_slice %arg2[%add3A_24, %dma_wait3A_43] : memref<320000x128xf32, #tpu.memory_space<hbm>> -> memref<375x128xf32, #tpu.memory_space<hbm>>
    tpu.wait_dma2 semaphore(%arg8 : memref<!tpu.dma_semaphore, #tpu.memory_space<semaphore_mem>>) src(%dma_wait3A_44 : memref<375x128xf32, #tpu.memory_space<hbm>>) dst(%arg5 : memref<375x128xf32, #tpu.memory_space<vmem>>)
    %parallel_loop3A_45 = arith.constant 0 : i32
    %parallel_loop3A_46 = arith.constant 375 : i32
    %parallel_loop3A_47 = arith.constant 1 : i32
    %parallel_loop3A_48:8 = scf.for %parallel_loop3A_314 = %parallel_loop3A_45 to %parallel_loop3A_46 step %parallel_loop3A_47 iter_args(%parallel_loop3A_315 = %parallel_loop3A_34#0, %parallel_loop3A_316 = %parallel_loop3A_34#1, %parallel_loop3A_317 = %parallel_loop3A_34#2, %parallel_loop3A_318 = %parallel_loop3A_34#3, %parallel_loop3A_319 = %parallel_loop3A_34#4, %parallel_loop3A_320 = %parallel_loop3A_34#5, %parallel_loop3A_321 = %parallel_loop3A_34#6, %parallel_loop3A_322 = %parallel_loop3A_34#7) -> (vector<16xf32>, vector<16xf32>, vector<16xf32>, vector<16xf32>, vector<16xf32>, vector<16xf32>, vector<16xf32>, vector<16xf32>)  : i32 {
      %parallel_loop3A_323 = arith.index_cast %parallel_loop3A_314 : i32 to index
      %parallel_loop3A_324 = arith.constant 0 : index
      %parallel_loop3A_325 = tpu.vector_load %arg5[%parallel_loop3A_323, %parallel_loop3A_324] {strides = array<i32>} : memref<375x128xf32, #tpu.memory_space<vmem>>, vector<1x16xf32>,
      %parallel_loop3A_326 = vector.shape_cast %parallel_loop3A_325 : vector<1x16xf32> to vector<16xf32>
      %parallel_loop3A_327 = arith.addf %parallel_loop3A_315, %parallel_loop3A_326 : vector<16xf32>
      %parallel_loop3A_328 = arith.index_cast %parallel_loop3A_314 : i32 to index
      %parallel_loop3A_329 = arith.constant 16 : index
      %parallel_loop3A_330 = tpu.vector_load %arg5[%parallel_loop3A_328, %parallel_loop3A_329] {strides = array<i32>} : memref<375x128xf32, #tpu.memory_space<vmem>>, vector<1x16xf32>,
      %parallel_loop3A_331 = vector.shape_cast %parallel_loop3A_330 : vector<1x16xf32> to vector<16xf32>
      %parallel_loop3A_332 = arith.addf %parallel_loop3A_316, %parallel_loop3A_331 : vector<16xf32>
      %parallel_loop3A_333 = arith.index_cast %parallel_loop3A_314 : i32 to index
      %parallel_loop3A_334 = arith.constant 32 : index
      %parallel_loop3A_335 = tpu.vector_load %arg5[%parallel_loop3A_333, %parallel_loop3A_334] {strides = array<i32>} : memref<375x128xf32, #tpu.memory_space<vmem>>, vector<1x16xf32>,
      %parallel_loop3A_336 = vector.shape_cast %parallel_loop3A_335 : vector<1x16xf32> to vector<16xf32>
      %parallel_loop3A_337 = arith.addf %parallel_loop3A_317, %parallel_loop3A_336 : vector<16xf32>
      %parallel_loop3A_338 = arith.index_cast %parallel_loop3A_314 : i32 to index
      %parallel_loop3A_339 = arith.constant 48 : index
      %parallel_loop3A_340 = tpu.vector_load %arg5[%parallel_loop3A_338, %parallel_loop3A_339] {strides = array<i32>} : memref<375x128xf32, #tpu.memory_space<vmem>>, vector<1x16xf32>,
      %parallel_loop3A_341 = vector.shape_cast %parallel_loop3A_340 : vector<1x16xf32> to vector<16xf32>
      %parallel_loop3A_342 = arith.addf %parallel_loop3A_318, %parallel_loop3A_341 : vector<16xf32>
      %parallel_loop3A_343 = arith.index_cast %parallel_loop3A_314 : i32 to index
      %parallel_loop3A_344 = arith.constant 64 : index
      %parallel_loop3A_345 = tpu.vector_load %arg5[%parallel_loop3A_343, %parallel_loop3A_344] {strides = array<i32>} : memref<375x128xf32, #tpu.memory_space<vmem>>, vector<1x16xf32>,
      %parallel_loop3A_346 = vector.shape_cast %parallel_loop3A_345 : vector<1x16xf32> to vector<16xf32>
      %parallel_loop3A_347 = arith.addf %parallel_loop3A_319, %parallel_loop3A_346 : vector<16xf32>
      %parallel_loop3A_348 = arith.index_cast %parallel_loop3A_314 : i32 to index
      %parallel_loop3A_349 = arith.constant 80 : index
      %parallel_loop3A_350 = tpu.vector_load %arg5[%parallel_loop3A_348, %parallel_loop3A_349] {strides = array<i32>} : memref<375x128xf32, #tpu.memory_space<vmem>>, vector<1x16xf32>,
      %parallel_loop3A_351 = vector.shape_cast %parallel_loop3A_350 : vector<1x16xf32> to vector<16xf32>
      %parallel_loop3A_352 = arith.addf %parallel_loop3A_320, %parallel_loop3A_351 : vector<16xf32>
      %parallel_loop3A_353 = arith.index_cast %parallel_loop3A_314 : i32 to index
      %parallel_loop3A_354 = arith.constant 96 : index
      %parallel_loop3A_355 = tpu.vector_load %arg5[%parallel_loop3A_353, %parallel_loop3A_354] {strides = array<i32>} : memref<375x128xf32, #tpu.memory_space<vmem>>, vector<1x16xf32>,
      %parallel_loop3A_356 = vector.shape_cast %parallel_loop3A_355 : vector<1x16xf32> to vector<16xf32>
      %parallel_loop3A_357 = arith.addf %parallel_loop3A_321, %parallel_loop3A_356 : vector<16xf32>
      %parallel_loop3A_358 = arith.index_cast %parallel_loop3A_314 : i32 to index
      %parallel_loop3A_359 = arith.constant 112 : index
      %parallel_loop3A_360 = tpu.vector_load %arg5[%parallel_loop3A_358, %parallel_loop3A_359] {strides = array<i32>} : memref<375x128xf32, #tpu.memory_space<vmem>>, vector<1x16xf32>,
      %parallel_loop3A_361 = vector.shape_cast %parallel_loop3A_360 : vector<1x16xf32> to vector<16xf32>
      %parallel_loop3A_362 = arith.addf %parallel_loop3A_322, %parallel_loop3A_361 : vector<16xf32>
      scf.yield %parallel_loop3A_327, %parallel_loop3A_332, %parallel_loop3A_337, %parallel_loop3A_342, %parallel_loop3A_347, %parallel_loop3A_352, %parallel_loop3A_357, %parallel_loop3A_362 : vector<16xf32>, vector<16xf32>, vector<16xf32>, vector<16xf32>, vector<16xf32>, vector<16xf32>, vector<16xf32>, vector<16xf32>
    } {sc.loop_unroll_factor = 8 : i64, sc.parallel_access}
    %add3A_49 = arith.constant 1125 : i32
    %add3A_50 = arith.addi %add3A_4, %add3A_49 : i32
    %dma_start3A_51 = arith.constant 0 : i32
    %dma_start3A_52 = tpu.memref_slice %arg2[%add3A_50, %dma_start3A_51] : memref<320000x128xf32, #tpu.memory_space<hbm>> -> memref<375x128xf32, #tpu.memory_space<hbm>>
    %dma_start3A_53 = arith.constant 0 : i32
    %dma_start3A_54 = tpu.memref_slice %arg2[%add3A_50, %dma_start3A_53] : memref<320000x128xf32, #tpu.memory_space<hbm>> -> memref<375x128xf32, #tpu.memory_space<hbm>>
    tpu.enqueue_dma source(%dma_start3A_54 : memref<375x128xf32, #tpu.memory_space<hbm>>) target(%arg5 : memref<375x128xf32, #tpu.memory_space<vmem>>) target_semaphore(%arg8 : memref<!tpu.dma_semaphore, #tpu.memory_space<semaphore_mem>>)
    %dma_wait3A_55 = arith.constant 0 : i32
    %dma_wait3A_56 = tpu.memref_slice %arg2[%add3A_36, %dma_wait3A_55] : memref<320000x128xf32, #tpu.memory_space<hbm>> -> memref<375x128xf32, #tpu.memory_space<hbm>>
    %dma_wait3A_57 = arith.constant 0 : i32
    %dma_wait3A_58 = tpu.memref_slice %arg2[%add3A_36, %dma_wait3A_57] : memref<320000x128xf32, #tpu.memory_space<hbm>> -> memref<375x128xf32, #tpu.memory_space<hbm>>
    tpu.wait_dma2 semaphore(%arg7 : memref<!tpu.dma_semaphore, #tpu.memory_space<semaphore_mem>>) src(%dma_wait3A_58 : memref<375x128xf32, #tpu.memory_space<hbm>>) dst(%arg4 : memref<375x128xf32, #tpu.memory_space<vmem>>)
    %parallel_loop3A_59 = arith.constant 0 : i32
    %parallel_loop3A_60 = arith.constant 375 : i32
    %parallel_loop3A_61 = arith.constant 1 : i32
    %parallel_loop3A_62:8 = scf.for %parallel_loop3A_314 = %parallel_loop3A_59 to %parallel_loop3A_60 step %parallel_loop3A_61 iter_args(%parallel_loop3A_315 = %parallel_loop3A_48#0, %parallel_loop3A_316 = %parallel_loop3A_48#1, %parallel_loop3A_317 = %parallel_loop3A_48#2, %parallel_loop3A_318 = %parallel_loop3A_48#3, %parallel_loop3A_319 = %parallel_loop3A_48#4, %parallel_loop3A_320 = %parallel_loop3A_48#5, %parallel_loop3A_321 = %parallel_loop3A_48#6, %parallel_loop3A_322 = %parallel_loop3A_48#7) -> (vector<16xf32>, vector<16xf32>, vector<16xf32>, vector<16xf32>, vector<16xf32>, vector<16xf32>, vector<16xf32>, vector<16xf32>)  : i32 {
      %parallel_loop3A_323 = arith.index_cast %parallel_loop3A_314 : i32 to index
      %parallel_loop3A_324 = arith.constant 0 : index
      %parallel_loop3A_325 = tpu.vector_load %arg4[%parallel_loop3A_323, %parallel_loop3A_324] {strides = array<i32>} : memref<375x128xf32, #tpu.memory_space<vmem>>, vector<1x16xf32>,
      %parallel_loop3A_326 = vector.shape_cast %parallel_loop3A_325 : vector<1x16xf32> to vector<16xf32>
      %parallel_loop3A_327 = arith.addf %parallel_loop3A_315, %parallel_loop3A_326 : vector<16xf32>
      %parallel_loop3A_328 = arith.index_cast %parallel_loop3A_314 : i32 to index
      %parallel_loop3A_329 = arith.constant 16 : index
      %parallel_loop3A_330 = tpu.vector_load %arg4[%parallel_loop3A_328, %parallel_loop3A_329] {strides = array<i32>} : memref<375x128xf32, #tpu.memory_space<vmem>>, vector<1x16xf32>,
      %parallel_loop3A_331 = vector.shape_cast %parallel_loop3A_330 : vector<1x16xf32> to vector<16xf32>
      %parallel_loop3A_332 = arith.addf %parallel_loop3A_316, %parallel_loop3A_331 : vector<16xf32>
      %parallel_loop3A_333 = arith.index_cast %parallel_loop3A_314 : i32 to index
      %parallel_loop3A_334 = arith.constant 32 : index
      %parallel_loop3A_335 = tpu.vector_load %arg4[%parallel_loop3A_333, %parallel_loop3A_334] {strides = array<i32>} : memref<375x128xf32, #tpu.memory_space<vmem>>, vector<1x16xf32>,
      %parallel_loop3A_336 = vector.shape_cast %parallel_loop3A_335 : vector<1x16xf32> to vector<16xf32>
      %parallel_loop3A_337 = arith.addf %parallel_loop3A_317, %parallel_loop3A_336 : vector<16xf32>
      %parallel_loop3A_338 = arith.index_cast %parallel_loop3A_314 : i32 to index
      %parallel_loop3A_339 = arith.constant 48 : index
      %parallel_loop3A_340 = tpu.vector_load %arg4[%parallel_loop3A_338, %parallel_loop3A_339] {strides = array<i32>} : memref<375x128xf32, #tpu.memory_space<vmem>>, vector<1x16xf32>,
      %parallel_loop3A_341 = vector.shape_cast %parallel_loop3A_340 : vector<1x16xf32> to vector<16xf32>
      %parallel_loop3A_342 = arith.addf %parallel_loop3A_318, %parallel_loop3A_341 : vector<16xf32>
      %parallel_loop3A_343 = arith.index_cast %parallel_loop3A_314 : i32 to index
      %parallel_loop3A_344 = arith.constant 64 : index
      %parallel_loop3A_345 = tpu.vector_load %arg4[%parallel_loop3A_343, %parallel_loop3A_344] {strides = array<i32>} : memref<375x128xf32, #tpu.memory_space<vmem>>, vector<1x16xf32>,
      %parallel_loop3A_346 = vector.shape_cast %parallel_loop3A_345 : vector<1x16xf32> to vector<16xf32>
      %parallel_loop3A_347 = arith.addf %parallel_loop3A_319, %parallel_loop3A_346 : vector<16xf32>
      %parallel_loop3A_348 = arith.index_cast %parallel_loop3A_314 : i32 to index
      %parallel_loop3A_349 = arith.constant 80 : index
      %parallel_loop3A_350 = tpu.vector_load %arg4[%parallel_loop3A_348, %parallel_loop3A_349] {strides = array<i32>} : memref<375x128xf32, #tpu.memory_space<vmem>>, vector<1x16xf32>,
      %parallel_loop3A_351 = vector.shape_cast %parallel_loop3A_350 : vector<1x16xf32> to vector<16xf32>
      %parallel_loop3A_352 = arith.addf %parallel_loop3A_320, %parallel_loop3A_351 : vector<16xf32>
      %parallel_loop3A_353 = arith.index_cast %parallel_loop3A_314 : i32 to index
      %parallel_loop3A_354 = arith.constant 96 : index
      %parallel_loop3A_355 = tpu.vector_load %arg4[%parallel_loop3A_353, %parallel_loop3A_354] {strides = array<i32>} : memref<375x128xf32, #tpu.memory_space<vmem>>, vector<1x16xf32>,
      %parallel_loop3A_356 = vector.shape_cast %parallel_loop3A_355 : vector<1x16xf32> to vector<16xf32>
      %parallel_loop3A_357 = arith.addf %parallel_loop3A_321, %parallel_loop3A_356 : vector<16xf32>
      %parallel_loop3A_358 = arith.index_cast %parallel_loop3A_314 : i32 to index
      %parallel_loop3A_359 = arith.constant 112 : index
      %parallel_loop3A_360 = tpu.vector_load %arg4[%parallel_loop3A_358, %parallel_loop3A_359] {strides = array<i32>} : memref<375x128xf32, #tpu.memory_space<vmem>>, vector<1x16xf32>,
      %parallel_loop3A_361 = vector.shape_cast %parallel_loop3A_360 : vector<1x16xf32> to vector<16xf32>
      %parallel_loop3A_362 = arith.addf %parallel_loop3A_322, %parallel_loop3A_361 : vector<16xf32>
      scf.yield %parallel_loop3A_327, %parallel_loop3A_332, %parallel_loop3A_337, %parallel_loop3A_342, %parallel_loop3A_347, %parallel_loop3A_352, %parallel_loop3A_357, %parallel_loop3A_362 : vector<16xf32>, vector<16xf32>, vector<16xf32>, vector<16xf32>, vector<16xf32>, vector<16xf32>, vector<16xf32>, vector<16xf32>
    } {sc.loop_unroll_factor = 8 : i64, sc.parallel_access}
    %add3A_63 = arith.constant 1500 : i32
    %add3A_64 = arith.addi %add3A_4, %add3A_63 : i32
    %dma_start3A_65 = arith.constant 0 : i32
    %dma_start3A_66 = tpu.memref_slice %arg2[%add3A_64, %dma_start3A_65] : memref<320000x128xf32, #tpu.memory_space<hbm>> -> memref<375x128xf32, #tpu.memory_space<hbm>>
    %dma_start3A_67 = arith.constant 0 : i32
    %dma_start3A_68 = tpu.memref_slice %arg2[%add3A_64, %dma_start3A_67] : memref<320000x128xf32, #tpu.memory_space<hbm>> -> memref<375x128xf32, #tpu.memory_space<hbm>>
    tpu.enqueue_dma source(%dma_start3A_68 : memref<375x128xf32, #tpu.memory_space<hbm>>) target(%arg4 : memref<375x128xf32, #tpu.memory_space<vmem>>) target_semaphore(%arg7 : memref<!tpu.dma_semaphore, #tpu.memory_space<semaphore_mem>>)
    %dma_wait3A_69 = arith.constant 0 : i32
    %dma_wait3A_70 = tpu.memref_slice %arg2[%add3A_50, %dma_wait3A_69] : memref<320000x128xf32, #tpu.memory_space<hbm>> -> memref<375x128xf32, #tpu.memory_space<hbm>>
    %dma_wait3A_71 = arith.constant 0 : i32
    %dma_wait3A_72 = tpu.memref_slice %arg2[%add3A_50, %dma_wait3A_71] : memref<320000x128xf32, #tpu.memory_space<hbm>> -> memref<375x128xf32, #tpu.memory_space<hbm>>
    tpu.wait_dma2 semaphore(%arg8 : memref<!tpu.dma_semaphore, #tpu.memory_space<semaphore_mem>>) src(%dma_wait3A_72 : memref<375x128xf32, #tpu.memory_space<hbm>>) dst(%arg5 : memref<375x128xf32, #tpu.memory_space<vmem>>)
    %parallel_loop3A_73 = arith.constant 0 : i32
    %parallel_loop3A_74 = arith.constant 375 : i32
    %parallel_loop3A_75 = arith.constant 1 : i32
    %parallel_loop3A_76:8 = scf.for %parallel_loop3A_314 = %parallel_loop3A_73 to %parallel_loop3A_74 step %parallel_loop3A_75 iter_args(%parallel_loop3A_315 = %parallel_loop3A_62#0, %parallel_loop3A_316 = %parallel_loop3A_62#1, %parallel_loop3A_317 = %parallel_loop3A_62#2, %parallel_loop3A_318 = %parallel_loop3A_62#3, %parallel_loop3A_319 = %parallel_loop3A_62#4, %parallel_loop3A_320 = %parallel_loop3A_62#5, %parallel_loop3A_321 = %parallel_loop3A_62#6, %parallel_loop3A_322 = %parallel_loop3A_62#7) -> (vector<16xf32>, vector<16xf32>, vector<16xf32>, vector<16xf32>, vector<16xf32>, vector<16xf32>, vector<16xf32>, vector<16xf32>)  : i32 {
      %parallel_loop3A_323 = arith.index_cast %parallel_loop3A_314 : i32 to index
      %parallel_loop3A_324 = arith.constant 0 : index
      %parallel_loop3A_325 = tpu.vector_load %arg5[%parallel_loop3A_323, %parallel_loop3A_324] {strides = array<i32>} : memref<375x128xf32, #tpu.memory_space<vmem>>, vector<1x16xf32>,
      %parallel_loop3A_326 = vector.shape_cast %parallel_loop3A_325 : vector<1x16xf32> to vector<16xf32>
      %parallel_loop3A_327 = arith.addf %parallel_loop3A_315, %parallel_loop3A_326 : vector<16xf32>
      %parallel_loop3A_328 = arith.index_cast %parallel_loop3A_314 : i32 to index
      %parallel_loop3A_329 = arith.constant 16 : index
      %parallel_loop3A_330 = tpu.vector_load %arg5[%parallel_loop3A_328, %parallel_loop3A_329] {strides = array<i32>} : memref<375x128xf32, #tpu.memory_space<vmem>>, vector<1x16xf32>,
      %parallel_loop3A_331 = vector.shape_cast %parallel_loop3A_330 : vector<1x16xf32> to vector<16xf32>
      %parallel_loop3A_332 = arith.addf %parallel_loop3A_316, %parallel_loop3A_331 : vector<16xf32>
      %parallel_loop3A_333 = arith.index_cast %parallel_loop3A_314 : i32 to index
      %parallel_loop3A_334 = arith.constant 32 : index
      %parallel_loop3A_335 = tpu.vector_load %arg5[%parallel_loop3A_333, %parallel_loop3A_334] {strides = array<i32>} : memref<375x128xf32, #tpu.memory_space<vmem>>, vector<1x16xf32>,
      %parallel_loop3A_336 = vector.shape_cast %parallel_loop3A_335 : vector<1x16xf32> to vector<16xf32>
      %parallel_loop3A_337 = arith.addf %parallel_loop3A_317, %parallel_loop3A_336 : vector<16xf32>
      %parallel_loop3A_338 = arith.index_cast %parallel_loop3A_314 : i32 to index
      %parallel_loop3A_339 = arith.constant 48 : index
      %parallel_loop3A_340 = tpu.vector_load %arg5[%parallel_loop3A_338, %parallel_loop3A_339] {strides = array<i32>} : memref<375x128xf32, #tpu.memory_space<vmem>>, vector<1x16xf32>,
      %parallel_loop3A_341 = vector.shape_cast %parallel_loop3A_340 : vector<1x16xf32> to vector<16xf32>
      %parallel_loop3A_342 = arith.addf %parallel_loop3A_318, %parallel_loop3A_341 : vector<16xf32>
      %parallel_loop3A_343 = arith.index_cast %parallel_loop3A_314 : i32 to index
      %parallel_loop3A_344 = arith.constant 64 : index
      %parallel_loop3A_345 = tpu.vector_load %arg5[%parallel_loop3A_343, %parallel_loop3A_344] {strides = array<i32>} : memref<375x128xf32, #tpu.memory_space<vmem>>, vector<1x16xf32>,
      %parallel_loop3A_346 = vector.shape_cast %parallel_loop3A_345 : vector<1x16xf32> to vector<16xf32>
      %parallel_loop3A_347 = arith.addf %parallel_loop3A_319, %parallel_loop3A_346 : vector<16xf32>
      %parallel_loop3A_348 = arith.index_cast %parallel_loop3A_314 : i32 to index
      %parallel_loop3A_349 = arith.constant 80 : index
      %parallel_loop3A_350 = tpu.vector_load %arg5[%parallel_loop3A_348, %parallel_loop3A_349] {strides = array<i32>} : memref<375x128xf32, #tpu.memory_space<vmem>>, vector<1x16xf32>,
      %parallel_loop3A_351 = vector.shape_cast %parallel_loop3A_350 : vector<1x16xf32> to vector<16xf32>
      %parallel_loop3A_352 = arith.addf %parallel_loop3A_320, %parallel_loop3A_351 : vector<16xf32>
      %parallel_loop3A_353 = arith.index_cast %parallel_loop3A_314 : i32 to index
      %parallel_loop3A_354 = arith.constant 96 : index
      %parallel_loop3A_355 = tpu.vector_load %arg5[%parallel_loop3A_353, %parallel_loop3A_354] {strides = array<i32>} : memref<375x128xf32, #tpu.memory_space<vmem>>, vector<1x16xf32>,
      %parallel_loop3A_356 = vector.shape_cast %parallel_loop3A_355 : vector<1x16xf32> to vector<16xf32>
      %parallel_loop3A_357 = arith.addf %parallel_loop3A_321, %parallel_loop3A_356 : vector<16xf32>
      %parallel_loop3A_358 = arith.index_cast %parallel_loop3A_314 : i32 to index
      %parallel_loop3A_359 = arith.constant 112 : index
      %parallel_loop3A_360 = tpu.vector_load %arg5[%parallel_loop3A_358, %parallel_loop3A_359] {strides = array<i32>} : memref<375x128xf32, #tpu.memory_space<vmem>>, vector<1x16xf32>,
      %parallel_loop3A_361 = vector.shape_cast %parallel_loop3A_360 : vector<1x16xf32> to vector<16xf32>
      %parallel_loop3A_362 = arith.addf %parallel_loop3A_322, %parallel_loop3A_361 : vector<16xf32>
      scf.yield %parallel_loop3A_327, %parallel_loop3A_332, %parallel_loop3A_337, %parallel_loop3A_342, %parallel_loop3A_347, %parallel_loop3A_352, %parallel_loop3A_357, %parallel_loop3A_362 : vector<16xf32>, vector<16xf32>, vector<16xf32>, vector<16xf32>, vector<16xf32>, vector<16xf32>, vector<16xf32>, vector<16xf32>
    } {sc.loop_unroll_factor = 8 : i64, sc.parallel_access}
    %add3A_77 = arith.constant 1875 : i32
    %add3A_78 = arith.addi %add3A_4, %add3A_77 : i32
    %dma_start3A_79 = arith.constant 0 : i32
    %dma_start3A_80 = tpu.memref_slice %arg2[%add3A_78, %dma_start3A_79] : memref<320000x128xf32, #tpu.memory_space<hbm>> -> memref<375x128xf32, #tpu.memory_space<hbm>>
    %dma_start3A_81 = arith.constant 0 : i32
    %dma_start3A_82 = tpu.memref_slice %arg2[%add3A_78, %dma_start3A_81] : memref<320000x128xf32, #tpu.memory_space<hbm>> -> memref<375x128xf32, #tpu.memory_space<hbm>>
    tpu.enqueue_dma source(%dma_start3A_82 : memref<375x128xf32, #tpu.memory_space<hbm>>) target(%arg5 : memref<375x128xf32, #tpu.memory_space<vmem>>) target_semaphore(%arg8 : memref<!tpu.dma_semaphore, #tpu.memory_space<semaphore_mem>>)
    %dma_wait3A_83 = arith.constant 0 : i32
    %dma_wait3A_84 = tpu.memref_slice %arg2[%add3A_64, %dma_wait3A_83] : memref<320000x128xf32, #tpu.memory_space<hbm>> -> memref<375x128xf32, #tpu.memory_space<hbm>>
    %dma_wait3A_85 = arith.constant 0 : i32
    %dma_wait3A_86 = tpu.memref_slice %arg2[%add3A_64, %dma_wait3A_85] : memref<320000x128xf32, #tpu.memory_space<hbm>> -> memref<375x128xf32, #tpu.memory_space<hbm>>
    tpu.wait_dma2 semaphore(%arg7 : memref<!tpu.dma_semaphore, #tpu.memory_space<semaphore_mem>>) src(%dma_wait3A_86 : memref<375x128xf32, #tpu.memory_space<hbm>>) dst(%arg4 : memref<375x128xf32, #tpu.memory_space<vmem>>)
    %parallel_loop3A_87 = arith.constant 0 : i32
    %parallel_loop3A_88 = arith.constant 375 : i32
    %parallel_loop3A_89 = arith.constant 1 : i32
    %parallel_loop3A_90:8 = scf.for %parallel_loop3A_314 = %parallel_loop3A_87 to %parallel_loop3A_88 step %parallel_loop3A_89 iter_args(%parallel_loop3A_315 = %parallel_loop3A_76#0, %parallel_loop3A_316 = %parallel_loop3A_76#1, %parallel_loop3A_317 = %parallel_loop3A_76#2, %parallel_loop3A_318 = %parallel_loop3A_76#3, %parallel_loop3A_319 = %parallel_loop3A_76#4, %parallel_loop3A_320 = %parallel_loop3A_76#5, %parallel_loop3A_321 = %parallel_loop3A_76#6, %parallel_loop3A_322 = %parallel_loop3A_76#7) -> (vector<16xf32>, vector<16xf32>, vector<16xf32>, vector<16xf32>, vector<16xf32>, vector<16xf32>, vector<16xf32>, vector<16xf32>)  : i32 {
      %parallel_loop3A_323 = arith.index_cast %parallel_loop3A_314 : i32 to index
      %parallel_loop3A_324 = arith.constant 0 : index
      %parallel_loop3A_325 = tpu.vector_load %arg4[%parallel_loop3A_323, %parallel_loop3A_324] {strides = array<i32>} : memref<375x128xf32, #tpu.memory_space<vmem>>, vector<1x16xf32>,
      %parallel_loop3A_326 = vector.shape_cast %parallel_loop3A_325 : vector<1x16xf32> to vector<16xf32>
      %parallel_loop3A_327 = arith.addf %parallel_loop3A_315, %parallel_loop3A_326 : vector<16xf32>
      %parallel_loop3A_328 = arith.index_cast %parallel_loop3A_314 : i32 to index
      %parallel_loop3A_329 = arith.constant 16 : index
      %parallel_loop3A_330 = tpu.vector_load %arg4[%parallel_loop3A_328, %parallel_loop3A_329] {strides = array<i32>} : memref<375x128xf32, #tpu.memory_space<vmem>>, vector<1x16xf32>,
      %parallel_loop3A_331 = vector.shape_cast %parallel_loop3A_330 : vector<1x16xf32> to vector<16xf32>
      %parallel_loop3A_332 = arith.addf %parallel_loop3A_316, %parallel_loop3A_331 : vector<16xf32>
      %parallel_loop3A_333 = arith.index_cast %parallel_loop3A_314 : i32 to index
      %parallel_loop3A_334 = arith.constant 32 : index
      %parallel_loop3A_335 = tpu.vector_load %arg4[%parallel_loop3A_333, %parallel_loop3A_334] {strides = array<i32>} : memref<375x128xf32, #tpu.memory_space<vmem>>, vector<1x16xf32>,
      %parallel_loop3A_336 = vector.shape_cast %parallel_loop3A_335 : vector<1x16xf32> to vector<16xf32>
      %parallel_loop3A_337 = arith.addf %parallel_loop3A_317, %parallel_loop3A_336 : vector<16xf32>
      %parallel_loop3A_338 = arith.index_cast %parallel_loop3A_314 : i32 to index
      %parallel_loop3A_339 = arith.constant 48 : index
      %parallel_loop3A_340 = tpu.vector_load %arg4[%parallel_loop3A_338, %parallel_loop3A_339] {strides = array<i32>} : memref<375x128xf32, #tpu.memory_space<vmem>>, vector<1x16xf32>,
      %parallel_loop3A_341 = vector.shape_cast %parallel_loop3A_340 : vector<1x16xf32> to vector<16xf32>
      %parallel_loop3A_342 = arith.addf %parallel_loop3A_318, %parallel_loop3A_341 : vector<16xf32>
      %parallel_loop3A_343 = arith.index_cast %parallel_loop3A_314 : i32 to index
      %parallel_loop3A_344 = arith.constant 64 : index
      %parallel_loop3A_345 = tpu.vector_load %arg4[%parallel_loop3A_343, %parallel_loop3A_344] {strides = array<i32>} : memref<375x128xf32, #tpu.memory_space<vmem>>, vector<1x16xf32>,
      %parallel_loop3A_346 = vector.shape_cast %parallel_loop3A_345 : vector<1x16xf32> to vector<16xf32>
      %parallel_loop3A_347 = arith.addf %parallel_loop3A_319, %parallel_loop3A_346 : vector<16xf32>
      %parallel_loop3A_348 = arith.index_cast %parallel_loop3A_314 : i32 to index
      %parallel_loop3A_349 = arith.constant 80 : index
      %parallel_loop3A_350 = tpu.vector_load %arg4[%parallel_loop3A_348, %parallel_loop3A_349] {strides = array<i32>} : memref<375x128xf32, #tpu.memory_space<vmem>>, vector<1x16xf32>,
      %parallel_loop3A_351 = vector.shape_cast %parallel_loop3A_350 : vector<1x16xf32> to vector<16xf32>
      %parallel_loop3A_352 = arith.addf %parallel_loop3A_320, %parallel_loop3A_351 : vector<16xf32>
      %parallel_loop3A_353 = arith.index_cast %parallel_loop3A_314 : i32 to index
      %parallel_loop3A_354 = arith.constant 96 : index
      %parallel_loop3A_355 = tpu.vector_load %arg4[%parallel_loop3A_353, %parallel_loop3A_354] {strides = array<i32>} : memref<375x128xf32, #tpu.memory_space<vmem>>, vector<1x16xf32>,
      %parallel_loop3A_356 = vector.shape_cast %parallel_loop3A_355 : vector<1x16xf32> to vector<16xf32>
      %parallel_loop3A_357 = arith.addf %parallel_loop3A_321, %parallel_loop3A_356 : vector<16xf32>
      %parallel_loop3A_358 = arith.index_cast %parallel_loop3A_314 : i32 to index
      %parallel_loop3A_359 = arith.constant 112 : index
      %parallel_loop3A_360 = tpu.vector_load %arg4[%parallel_loop3A_358, %parallel_loop3A_359] {strides = array<i32>} : memref<375x128xf32, #tpu.memory_space<vmem>>, vector<1x16xf32>,
      %parallel_loop3A_361 = vector.shape_cast %parallel_loop3A_360 : vector<1x16xf32> to vector<16xf32>
      %parallel_loop3A_362 = arith.addf %parallel_loop3A_322, %parallel_loop3A_361 : vector<16xf32>
      scf.yield %parallel_loop3A_327, %parallel_loop3A_332, %parallel_loop3A_337, %parallel_loop3A_342, %parallel_loop3A_347, %parallel_loop3A_352, %parallel_loop3A_357, %parallel_loop3A_362 : vector<16xf32>, vector<16xf32>, vector<16xf32>, vector<16xf32>, vector<16xf32>, vector<16xf32>, vector<16xf32>, vector<16xf32>
    } {sc.loop_unroll_factor = 8 : i64, sc.parallel_access}
    %add3A_91 = arith.constant 2250 : i32
    %add3A_92 = arith.addi %add3A_4, %add3A_91 : i32
    %dma_start3A_93 = arith.constant 0 : i32
    %dma_start3A_94 = tpu.memref_slice %arg2[%add3A_92, %dma_start3A_93] : memref<320000x128xf32, #tpu.memory_space<hbm>> -> memref<375x128xf32, #tpu.memory_space<hbm>>
    %dma_start3A_95 = arith.constant 0 : i32
    %dma_start3A_96 = tpu.memref_slice %arg2[%add3A_92, %dma_start3A_95] : memref<320000x128xf32, #tpu.memory_space<hbm>> -> memref<375x128xf32, #tpu.memory_space<hbm>>
    tpu.enqueue_dma source(%dma_start3A_96 : memref<375x128xf32, #tpu.memory_space<hbm>>) target(%arg4 : memref<375x128xf32, #tpu.memory_space<vmem>>) target_semaphore(%arg7 : memref<!tpu.dma_semaphore, #tpu.memory_space<semaphore_mem>>)
    %dma_wait3A_97 = arith.constant 0 : i32
    %dma_wait3A_98 = tpu.memref_slice %arg2[%add3A_78, %dma_wait3A_97] : memref<320000x128xf32, #tpu.memory_space<hbm>> -> memref<375x128xf32, #tpu.memory_space<hbm>>
    %dma_wait3A_99 = arith.constant 0 : i32
    %dma_wait3A_100 = tpu.memref_slice %arg2[%add3A_78, %dma_wait3A_99] : memref<320000x128xf32, #tpu.memory_space<hbm>> -> memref<375x128xf32, #tpu.memory_space<hbm>>
    tpu.wait_dma2 semaphore(%arg8 : memref<!tpu.dma_semaphore, #tpu.memory_space<semaphore_mem>>) src(%dma_wait3A_100 : memref<375x128xf32, #tpu.memory_space<hbm>>) dst(%arg5 : memref<375x128xf32, #tpu.memory_space<vmem>>)
    %parallel_loop3A_101 = arith.constant 0 : i32
    %parallel_loop3A_102 = arith.constant 375 : i32
    %parallel_loop3A_103 = arith.constant 1 : i32
    %parallel_loop3A_104:8 = scf.for %parallel_loop3A_314 = %parallel_loop3A_101 to %parallel_loop3A_102 step %parallel_loop3A_103 iter_args(%parallel_loop3A_315 = %parallel_loop3A_90#0, %parallel_loop3A_316 = %parallel_loop3A_90#1, %parallel_loop3A_317 = %parallel_loop3A_90#2, %parallel_loop3A_318 = %parallel_loop3A_90#3, %parallel_loop3A_319 = %parallel_loop3A_90#4, %parallel_loop3A_320 = %parallel_loop3A_90#5, %parallel_loop3A_321 = %parallel_loop3A_90#6, %parallel_loop3A_322 = %parallel_loop3A_90#7) -> (vector<16xf32>, vector<16xf32>, vector<16xf32>, vector<16xf32>, vector<16xf32>, vector<16xf32>, vector<16xf32>, vector<16xf32>)  : i32 {
      %parallel_loop3A_323 = arith.index_cast %parallel_loop3A_314 : i32 to index
      %parallel_loop3A_324 = arith.constant 0 : index
      %parallel_loop3A_325 = tpu.vector_load %arg5[%parallel_loop3A_323, %parallel_loop3A_324] {strides = array<i32>} : memref<375x128xf32, #tpu.memory_space<vmem>>, vector<1x16xf32>,
      %parallel_loop3A_326 = vector.shape_cast %parallel_loop3A_325 : vector<1x16xf32> to vector<16xf32>
      %parallel_loop3A_327 = arith.addf %parallel_loop3A_315, %parallel_loop3A_326 : vector<16xf32>
      %parallel_loop3A_328 = arith.index_cast %parallel_loop3A_314 : i32 to index
      %parallel_loop3A_329 = arith.constant 16 : index
      %parallel_loop3A_330 = tpu.vector_load %arg5[%parallel_loop3A_328, %parallel_loop3A_329] {strides = array<i32>} : memref<375x128xf32, #tpu.memory_space<vmem>>, vector<1x16xf32>,
      %parallel_loop3A_331 = vector.shape_cast %parallel_loop3A_330 : vector<1x16xf32> to vector<16xf32>
      %parallel_loop3A_332 = arith.addf %parallel_loop3A_316, %parallel_loop3A_331 : vector<16xf32>
      %parallel_loop3A_333 = arith.index_cast %parallel_loop3A_314 : i32 to index
      %parallel_loop3A_334 = arith.constant 32 : index
      %parallel_loop3A_335 = tpu.vector_load %arg5[%parallel_loop3A_333, %parallel_loop3A_334] {strides = array<i32>} : memref<375x128xf32, #tpu.memory_space<vmem>>, vector<1x16xf32>,
      %parallel_loop3A_336 = vector.shape_cast %parallel_loop3A_335 : vector<1x16xf32> to vector<16xf32>
      %parallel_loop3A_337 = arith.addf %parallel_loop3A_317, %parallel_loop3A_336 : vector<16xf32>
      %parallel_loop3A_338 = arith.index_cast %parallel_loop3A_314 : i32 to index
      %parallel_loop3A_339 = arith.constant 48 : index
      %parallel_loop3A_340 = tpu.vector_load %arg5[%parallel_loop3A_338, %parallel_loop3A_339] {strides = array<i32>} : memref<375x128xf32, #tpu.memory_space<vmem>>, vector<1x16xf32>,
      %parallel_loop3A_341 = vector.shape_cast %parallel_loop3A_340 : vector<1x16xf32> to vector<16xf32>
      %parallel_loop3A_342 = arith.addf %parallel_loop3A_318, %parallel_loop3A_341 : vector<16xf32>
      %parallel_loop3A_343 = arith.index_cast %parallel_loop3A_314 : i32 to index
      %parallel_loop3A_344 = arith.constant 64 : index
      %parallel_loop3A_345 = tpu.vector_load %arg5[%parallel_loop3A_343, %parallel_loop3A_344] {strides = array<i32>} : memref<375x128xf32, #tpu.memory_space<vmem>>, vector<1x16xf32>,
      %parallel_loop3A_346 = vector.shape_cast %parallel_loop3A_345 : vector<1x16xf32> to vector<16xf32>
      %parallel_loop3A_347 = arith.addf %parallel_loop3A_319, %parallel_loop3A_346 : vector<16xf32>
      %parallel_loop3A_348 = arith.index_cast %parallel_loop3A_314 : i32 to index
      %parallel_loop3A_349 = arith.constant 80 : index
      %parallel_loop3A_350 = tpu.vector_load %arg5[%parallel_loop3A_348, %parallel_loop3A_349] {strides = array<i32>} : memref<375x128xf32, #tpu.memory_space<vmem>>, vector<1x16xf32>,
      %parallel_loop3A_351 = vector.shape_cast %parallel_loop3A_350 : vector<1x16xf32> to vector<16xf32>
      %parallel_loop3A_352 = arith.addf %parallel_loop3A_320, %parallel_loop3A_351 : vector<16xf32>
      %parallel_loop3A_353 = arith.index_cast %parallel_loop3A_314 : i32 to index
      %parallel_loop3A_354 = arith.constant 96 : index
      %parallel_loop3A_355 = tpu.vector_load %arg5[%parallel_loop3A_353, %parallel_loop3A_354] {strides = array<i32>} : memref<375x128xf32, #tpu.memory_space<vmem>>, vector<1x16xf32>,
      %parallel_loop3A_356 = vector.shape_cast %parallel_loop3A_355 : vector<1x16xf32> to vector<16xf32>
      %parallel_loop3A_357 = arith.addf %parallel_loop3A_321, %parallel_loop3A_356 : vector<16xf32>
      %parallel_loop3A_358 = arith.index_cast %parallel_loop3A_314 : i32 to index
      %parallel_loop3A_359 = arith.constant 112 : index
      %parallel_loop3A_360 = tpu.vector_load %arg5[%parallel_loop3A_358, %parallel_loop3A_359] {strides = array<i32>} : memref<375x128xf32, #tpu.memory_space<vmem>>, vector<1x16xf32>,
      %parallel_loop3A_361 = vector.shape_cast %parallel_loop3A_360 : vector<1x16xf32> to vector<16xf32>
      %parallel_loop3A_362 = arith.addf %parallel_loop3A_322, %parallel_loop3A_361 : vector<16xf32>
      scf.yield %parallel_loop3A_327, %parallel_loop3A_332, %parallel_loop3A_337, %parallel_loop3A_342, %parallel_loop3A_347, %parallel_loop3A_352, %parallel_loop3A_357, %parallel_loop3A_362 : vector<16xf32>, vector<16xf32>, vector<16xf32>, vector<16xf32>, vector<16xf32>, vector<16xf32>, vector<16xf32>, vector<16xf32>
    } {sc.loop_unroll_factor = 8 : i64, sc.parallel_access}
    %add3A_105 = arith.constant 2625 : i32
    %add3A_106 = arith.addi %add3A_4, %add3A_105 : i32
    %dma_start3A_107 = arith.constant 0 : i32
    %dma_start3A_108 = tpu.memref_slice %arg2[%add3A_106, %dma_start3A_107] : memref<320000x128xf32, #tpu.memory_space<hbm>> -> memref<375x128xf32, #tpu.memory_space<hbm>>
    %dma_start3A_109 = arith.constant 0 : i32
    %dma_start3A_110 = tpu.memref_slice %arg2[%add3A_106, %dma_start3A_109] : memref<320000x128xf32, #tpu.memory_space<hbm>> -> memref<375x128xf32, #tpu.memory_space<hbm>>
    tpu.enqueue_dma source(%dma_start3A_110 : memref<375x128xf32, #tpu.memory_space<hbm>>) target(%arg5 : memref<375x128xf32, #tpu.memory_space<vmem>>) target_semaphore(%arg8 : memref<!tpu.dma_semaphore, #tpu.memory_space<semaphore_mem>>)
    %dma_wait3A_111 = arith.constant 0 : i32
    %dma_wait3A_112 = tpu.memref_slice %arg2[%add3A_92, %dma_wait3A_111] : memref<320000x128xf32, #tpu.memory_space<hbm>> -> memref<375x128xf32, #tpu.memory_space<hbm>>
    %dma_wait3A_113 = arith.constant 0 : i32
    %dma_wait3A_114 = tpu.memref_slice %arg2[%add3A_92, %dma_wait3A_113] : memref<320000x128xf32, #tpu.memory_space<hbm>> -> memref<375x128xf32, #tpu.memory_space<hbm>>
    tpu.wait_dma2 semaphore(%arg7 : memref<!tpu.dma_semaphore, #tpu.memory_space<semaphore_mem>>) src(%dma_wait3A_114 : memref<375x128xf32, #tpu.memory_space<hbm>>) dst(%arg4 : memref<375x128xf32, #tpu.memory_space<vmem>>)
    %parallel_loop3A_115 = arith.constant 0 : i32
    %parallel_loop3A_116 = arith.constant 375 : i32
    %parallel_loop3A_117 = arith.constant 1 : i32
    %parallel_loop3A_118:8 = scf.for %parallel_loop3A_314 = %parallel_loop3A_115 to %parallel_loop3A_116 step %parallel_loop3A_117 iter_args(%parallel_loop3A_315 = %parallel_loop3A_104#0, %parallel_loop3A_316 = %parallel_loop3A_104#1, %parallel_loop3A_317 = %parallel_loop3A_104#2, %parallel_loop3A_318 = %parallel_loop3A_104#3, %parallel_loop3A_319 = %parallel_loop3A_104#4, %parallel_loop3A_320 = %parallel_loop3A_104#5, %parallel_loop3A_321 = %parallel_loop3A_104#6, %parallel_loop3A_322 = %parallel_loop3A_104#7) -> (vector<16xf32>, vector<16xf32>, vector<16xf32>, vector<16xf32>, vector<16xf32>, vector<16xf32>, vector<16xf32>, vector<16xf32>)  : i32 {
      %parallel_loop3A_323 = arith.index_cast %parallel_loop3A_314 : i32 to index
      %parallel_loop3A_324 = arith.constant 0 : index
      %parallel_loop3A_325 = tpu.vector_load %arg4[%parallel_loop3A_323, %parallel_loop3A_324] {strides = array<i32>} : memref<375x128xf32, #tpu.memory_space<vmem>>, vector<1x16xf32>,
      %parallel_loop3A_326 = vector.shape_cast %parallel_loop3A_325 : vector<1x16xf32> to vector<16xf32>
      %parallel_loop3A_327 = arith.addf %parallel_loop3A_315, %parallel_loop3A_326 : vector<16xf32>
      %parallel_loop3A_328 = arith.index_cast %parallel_loop3A_314 : i32 to index
      %parallel_loop3A_329 = arith.constant 16 : index
      %parallel_loop3A_330 = tpu.vector_load %arg4[%parallel_loop3A_328, %parallel_loop3A_329] {strides = array<i32>} : memref<375x128xf32, #tpu.memory_space<vmem>>, vector<1x16xf32>,
      %parallel_loop3A_331 = vector.shape_cast %parallel_loop3A_330 : vector<1x16xf32> to vector<16xf32>
      %parallel_loop3A_332 = arith.addf %parallel_loop3A_316, %parallel_loop3A_331 : vector<16xf32>
      %parallel_loop3A_333 = arith.index_cast %parallel_loop3A_314 : i32 to index
      %parallel_loop3A_334 = arith.constant 32 : index
      %parallel_loop3A_335 = tpu.vector_load %arg4[%parallel_loop3A_333, %parallel_loop3A_334] {strides = array<i32>} : memref<375x128xf32, #tpu.memory_space<vmem>>, vector<1x16xf32>,
      %parallel_loop3A_336 = vector.shape_cast %parallel_loop3A_335 : vector<1x16xf32> to vector<16xf32>
      %parallel_loop3A_337 = arith.addf %parallel_loop3A_317, %parallel_loop3A_336 : vector<16xf32>
      %parallel_loop3A_338 = arith.index_cast %parallel_loop3A_314 : i32 to index
      %parallel_loop3A_339 = arith.constant 48 : index
      %parallel_loop3A_340 = tpu.vector_load %arg4[%parallel_loop3A_338, %parallel_loop3A_339] {strides = array<i32>} : memref<375x128xf32, #tpu.memory_space<vmem>>, vector<1x16xf32>,
      %parallel_loop3A_341 = vector.shape_cast %parallel_loop3A_340 : vector<1x16xf32> to vector<16xf32>
      %parallel_loop3A_342 = arith.addf %parallel_loop3A_318, %parallel_loop3A_341 : vector<16xf32>
      %parallel_loop3A_343 = arith.index_cast %parallel_loop3A_314 : i32 to index
      %parallel_loop3A_344 = arith.constant 64 : index
      %parallel_loop3A_345 = tpu.vector_load %arg4[%parallel_loop3A_343, %parallel_loop3A_344] {strides = array<i32>} : memref<375x128xf32, #tpu.memory_space<vmem>>, vector<1x16xf32>,
      %parallel_loop3A_346 = vector.shape_cast %parallel_loop3A_345 : vector<1x16xf32> to vector<16xf32>
      %parallel_loop3A_347 = arith.addf %parallel_loop3A_319, %parallel_loop3A_346 : vector<16xf32>
      %parallel_loop3A_348 = arith.index_cast %parallel_loop3A_314 : i32 to index
      %parallel_loop3A_349 = arith.constant 80 : index
      %parallel_loop3A_350 = tpu.vector_load %arg4[%parallel_loop3A_348, %parallel_loop3A_349] {strides = array<i32>} : memref<375x128xf32, #tpu.memory_space<vmem>>, vector<1x16xf32>,
      %parallel_loop3A_351 = vector.shape_cast %parallel_loop3A_350 : vector<1x16xf32> to vector<16xf32>
      %parallel_loop3A_352 = arith.addf %parallel_loop3A_320, %parallel_loop3A_351 : vector<16xf32>
      %parallel_loop3A_353 = arith.index_cast %parallel_loop3A_314 : i32 to index
      %parallel_loop3A_354 = arith.constant 96 : index
      %parallel_loop3A_355 = tpu.vector_load %arg4[%parallel_loop3A_353, %parallel_loop3A_354] {strides = array<i32>} : memref<375x128xf32, #tpu.memory_space<vmem>>, vector<1x16xf32>,
      %parallel_loop3A_356 = vector.shape_cast %parallel_loop3A_355 : vector<1x16xf32> to vector<16xf32>
      %parallel_loop3A_357 = arith.addf %parallel_loop3A_321, %parallel_loop3A_356 : vector<16xf32>
      %parallel_loop3A_358 = arith.index_cast %parallel_loop3A_314 : i32 to index
      %parallel_loop3A_359 = arith.constant 112 : index
      %parallel_loop3A_360 = tpu.vector_load %arg4[%parallel_loop3A_358, %parallel_loop3A_359] {strides = array<i32>} : memref<375x128xf32, #tpu.memory_space<vmem>>, vector<1x16xf32>,
      %parallel_loop3A_361 = vector.shape_cast %parallel_loop3A_360 : vector<1x16xf32> to vector<16xf32>
      %parallel_loop3A_362 = arith.addf %parallel_loop3A_322, %parallel_loop3A_361 : vector<16xf32>
      scf.yield %parallel_loop3A_327, %parallel_loop3A_332, %parallel_loop3A_337, %parallel_loop3A_342, %parallel_loop3A_347, %parallel_loop3A_352, %parallel_loop3A_357, %parallel_loop3A_362 : vector<16xf32>, vector<16xf32>, vector<16xf32>, vector<16xf32>, vector<16xf32>, vector<16xf32>, vector<16xf32>, vector<16xf32>
    } {sc.loop_unroll_factor = 8 : i64, sc.parallel_access}
    %add3A_119 = arith.constant 3000 : i32
    %add3A_120 = arith.addi %add3A_4, %add3A_119 : i32
    %dma_start3A_121 = arith.constant 0 : i32
    %dma_start3A_122 = tpu.memref_slice %arg2[%add3A_120, %dma_start3A_121] : memref<320000x128xf32, #tpu.memory_space<hbm>> -> memref<375x128xf32, #tpu.memory_space<hbm>>
    %dma_start3A_123 = arith.constant 0 : i32
    %dma_start3A_124 = tpu.memref_slice %arg2[%add3A_120, %dma_start3A_123] : memref<320000x128xf32, #tpu.memory_space<hbm>> -> memref<375x128xf32, #tpu.memory_space<hbm>>
    tpu.enqueue_dma source(%dma_start3A_124 : memref<375x128xf32, #tpu.memory_space<hbm>>) target(%arg4 : memref<375x128xf32, #tpu.memory_space<vmem>>) target_semaphore(%arg7 : memref<!tpu.dma_semaphore, #tpu.memory_space<semaphore_mem>>)
    %dma_wait3A_125 = arith.constant 0 : i32
    %dma_wait3A_126 = tpu.memref_slice %arg2[%add3A_106, %dma_wait3A_125] : memref<320000x128xf32, #tpu.memory_space<hbm>> -> memref<375x128xf32, #tpu.memory_space<hbm>>
    %dma_wait3A_127 = arith.constant 0 : i32
    %dma_wait3A_128 = tpu.memref_slice %arg2[%add3A_106, %dma_wait3A_127] : memref<320000x128xf32, #tpu.memory_space<hbm>> -> memref<375x128xf32, #tpu.memory_space<hbm>>
    tpu.wait_dma2 semaphore(%arg8 : memref<!tpu.dma_semaphore, #tpu.memory_space<semaphore_mem>>) src(%dma_wait3A_128 : memref<375x128xf32, #tpu.memory_space<hbm>>) dst(%arg5 : memref<375x128xf32, #tpu.memory_space<vmem>>)
    %parallel_loop3A_129 = arith.constant 0 : i32
    %parallel_loop3A_130 = arith.constant 375 : i32
    %parallel_loop3A_131 = arith.constant 1 : i32
    %parallel_loop3A_132:8 = scf.for %parallel_loop3A_314 = %parallel_loop3A_129 to %parallel_loop3A_130 step %parallel_loop3A_131 iter_args(%parallel_loop3A_315 = %parallel_loop3A_118#0, %parallel_loop3A_316 = %parallel_loop3A_118#1, %parallel_loop3A_317 = %parallel_loop3A_118#2, %parallel_loop3A_318 = %parallel_loop3A_118#3, %parallel_loop3A_319 = %parallel_loop3A_118#4, %parallel_loop3A_320 = %parallel_loop3A_118#5, %parallel_loop3A_321 = %parallel_loop3A_118#6, %parallel_loop3A_322 = %parallel_loop3A_118#7) -> (vector<16xf32>, vector<16xf32>, vector<16xf32>, vector<16xf32>, vector<16xf32>, vector<16xf32>, vector<16xf32>, vector<16xf32>)  : i32 {
      %parallel_loop3A_323 = arith.index_cast %parallel_loop3A_314 : i32 to index
      %parallel_loop3A_324 = arith.constant 0 : index
      %parallel_loop3A_325 = tpu.vector_load %arg5[%parallel_loop3A_323, %parallel_loop3A_324] {strides = array<i32>} : memref<375x128xf32, #tpu.memory_space<vmem>>, vector<1x16xf32>,
      %parallel_loop3A_326 = vector.shape_cast %parallel_loop3A_325 : vector<1x16xf32> to vector<16xf32>
      %parallel_loop3A_327 = arith.addf %parallel_loop3A_315, %parallel_loop3A_326 : vector<16xf32>
      %parallel_loop3A_328 = arith.index_cast %parallel_loop3A_314 : i32 to index
      %parallel_loop3A_329 = arith.constant 16 : index
      %parallel_loop3A_330 = tpu.vector_load %arg5[%parallel_loop3A_328, %parallel_loop3A_329] {strides = array<i32>} : memref<375x128xf32, #tpu.memory_space<vmem>>, vector<1x16xf32>,
      %parallel_loop3A_331 = vector.shape_cast %parallel_loop3A_330 : vector<1x16xf32> to vector<16xf32>
      %parallel_loop3A_332 = arith.addf %parallel_loop3A_316, %parallel_loop3A_331 : vector<16xf32>
      %parallel_loop3A_333 = arith.index_cast %parallel_loop3A_314 : i32 to index
      %parallel_loop3A_334 = arith.constant 32 : index
      %parallel_loop3A_335 = tpu.vector_load %arg5[%parallel_loop3A_333, %parallel_loop3A_334] {strides = array<i32>} : memref<375x128xf32, #tpu.memory_space<vmem>>, vector<1x16xf32>,
      %parallel_loop3A_336 = vector.shape_cast %parallel_loop3A_335 : vector<1x16xf32> to vector<16xf32>
      %parallel_loop3A_337 = arith.addf %parallel_loop3A_317, %parallel_loop3A_336 : vector<16xf32>
      %parallel_loop3A_338 = arith.index_cast %parallel_loop3A_314 : i32 to index
      %parallel_loop3A_339 = arith.constant 48 : index
      %parallel_loop3A_340 = tpu.vector_load %arg5[%parallel_loop3A_338, %parallel_loop3A_339] {strides = array<i32>} : memref<375x128xf32, #tpu.memory_space<vmem>>, vector<1x16xf32>,
      %parallel_loop3A_341 = vector.shape_cast %parallel_loop3A_340 : vector<1x16xf32> to vector<16xf32>
      %parallel_loop3A_342 = arith.addf %parallel_loop3A_318, %parallel_loop3A_341 : vector<16xf32>
      %parallel_loop3A_343 = arith.index_cast %parallel_loop3A_314 : i32 to index
      %parallel_loop3A_344 = arith.constant 64 : index
      %parallel_loop3A_345 = tpu.vector_load %arg5[%parallel_loop3A_343, %parallel_loop3A_344] {strides = array<i32>} : memref<375x128xf32, #tpu.memory_space<vmem>>, vector<1x16xf32>,
      %parallel_loop3A_346 = vector.shape_cast %parallel_loop3A_345 : vector<1x16xf32> to vector<16xf32>
      %parallel_loop3A_347 = arith.addf %parallel_loop3A_319, %parallel_loop3A_346 : vector<16xf32>
      %parallel_loop3A_348 = arith.index_cast %parallel_loop3A_314 : i32 to index
      %parallel_loop3A_349 = arith.constant 80 : index
      %parallel_loop3A_350 = tpu.vector_load %arg5[%parallel_loop3A_348, %parallel_loop3A_349] {strides = array<i32>} : memref<375x128xf32, #tpu.memory_space<vmem>>, vector<1x16xf32>,
      %parallel_loop3A_351 = vector.shape_cast %parallel_loop3A_350 : vector<1x16xf32> to vector<16xf32>
      %parallel_loop3A_352 = arith.addf %parallel_loop3A_320, %parallel_loop3A_351 : vector<16xf32>
      %parallel_loop3A_353 = arith.index_cast %parallel_loop3A_314 : i32 to index
      %parallel_loop3A_354 = arith.constant 96 : index
      %parallel_loop3A_355 = tpu.vector_load %arg5[%parallel_loop3A_353, %parallel_loop3A_354] {strides = array<i32>} : memref<375x128xf32, #tpu.memory_space<vmem>>, vector<1x16xf32>,
      %parallel_loop3A_356 = vector.shape_cast %parallel_loop3A_355 : vector<1x16xf32> to vector<16xf32>
      %parallel_loop3A_357 = arith.addf %parallel_loop3A_321, %parallel_loop3A_356 : vector<16xf32>
      %parallel_loop3A_358 = arith.index_cast %parallel_loop3A_314 : i32 to index
      %parallel_loop3A_359 = arith.constant 112 : index
      %parallel_loop3A_360 = tpu.vector_load %arg5[%parallel_loop3A_358, %parallel_loop3A_359] {strides = array<i32>} : memref<375x128xf32, #tpu.memory_space<vmem>>, vector<1x16xf32>,
      %parallel_loop3A_361 = vector.shape_cast %parallel_loop3A_360 : vector<1x16xf32> to vector<16xf32>
      %parallel_loop3A_362 = arith.addf %parallel_loop3A_322, %parallel_loop3A_361 : vector<16xf32>
      scf.yield %parallel_loop3A_327, %parallel_loop3A_332, %parallel_loop3A_337, %parallel_loop3A_342, %parallel_loop3A_347, %parallel_loop3A_352, %parallel_loop3A_357, %parallel_loop3A_362 : vector<16xf32>, vector<16xf32>, vector<16xf32>, vector<16xf32>, vector<16xf32>, vector<16xf32>, vector<16xf32>, vector<16xf32>
    } {sc.loop_unroll_factor = 8 : i64, sc.parallel_access}
    %add3A_133 = arith.constant 3375 : i32
    %add3A_134 = arith.addi %add3A_4, %add3A_133 : i32
    %dma_start3A_135 = arith.constant 0 : i32
    %dma_start3A_136 = tpu.memref_slice %arg2[%add3A_134, %dma_start3A_135] : memref<320000x128xf32, #tpu.memory_space<hbm>> -> memref<375x128xf32, #tpu.memory_space<hbm>>
    %dma_start3A_137 = arith.constant 0 : i32
    %dma_start3A_138 = tpu.memref_slice %arg2[%add3A_134, %dma_start3A_137] : memref<320000x128xf32, #tpu.memory_space<hbm>> -> memref<375x128xf32, #tpu.memory_space<hbm>>
    tpu.enqueue_dma source(%dma_start3A_138 : memref<375x128xf32, #tpu.memory_space<hbm>>) target(%arg5 : memref<375x128xf32, #tpu.memory_space<vmem>>) target_semaphore(%arg8 : memref<!tpu.dma_semaphore, #tpu.memory_space<semaphore_mem>>)
    %dma_wait3A_139 = arith.constant 0 : i32
    %dma_wait3A_140 = tpu.memref_slice %arg2[%add3A_120, %dma_wait3A_139] : memref<320000x128xf32, #tpu.memory_space<hbm>> -> memref<375x128xf32, #tpu.memory_space<hbm>>
    %dma_wait3A_141 = arith.constant 0 : i32
    %dma_wait3A_142 = tpu.memref_slice %arg2[%add3A_120, %dma_wait3A_141] : memref<320000x128xf32, #tpu.memory_space<hbm>> -> memref<375x128xf32, #tpu.memory_space<hbm>>
    tpu.wait_dma2 semaphore(%arg7 : memref<!tpu.dma_semaphore, #tpu.memory_space<semaphore_mem>>) src(%dma_wait3A_142 : memref<375x128xf32, #tpu.memory_space<hbm>>) dst(%arg4 : memref<375x128xf32, #tpu.memory_space<vmem>>)
    %parallel_loop3A_143 = arith.constant 0 : i32
    %parallel_loop3A_144 = arith.constant 375 : i32
    %parallel_loop3A_145 = arith.constant 1 : i32
    %parallel_loop3A_146:8 = scf.for %parallel_loop3A_314 = %parallel_loop3A_143 to %parallel_loop3A_144 step %parallel_loop3A_145 iter_args(%parallel_loop3A_315 = %parallel_loop3A_132#0, %parallel_loop3A_316 = %parallel_loop3A_132#1, %parallel_loop3A_317 = %parallel_loop3A_132#2, %parallel_loop3A_318 = %parallel_loop3A_132#3, %parallel_loop3A_319 = %parallel_loop3A_132#4, %parallel_loop3A_320 = %parallel_loop3A_132#5, %parallel_loop3A_321 = %parallel_loop3A_132#6, %parallel_loop3A_322 = %parallel_loop3A_132#7) -> (vector<16xf32>, vector<16xf32>, vector<16xf32>, vector<16xf32>, vector<16xf32>, vector<16xf32>, vector<16xf32>, vector<16xf32>)  : i32 {
      %parallel_loop3A_323 = arith.index_cast %parallel_loop3A_314 : i32 to index
      %parallel_loop3A_324 = arith.constant 0 : index
      %parallel_loop3A_325 = tpu.vector_load %arg4[%parallel_loop3A_323, %parallel_loop3A_324] {strides = array<i32>} : memref<375x128xf32, #tpu.memory_space<vmem>>, vector<1x16xf32>,
      %parallel_loop3A_326 = vector.shape_cast %parallel_loop3A_325 : vector<1x16xf32> to vector<16xf32>
      %parallel_loop3A_327 = arith.addf %parallel_loop3A_315, %parallel_loop3A_326 : vector<16xf32>
      %parallel_loop3A_328 = arith.index_cast %parallel_loop3A_314 : i32 to index
      %parallel_loop3A_329 = arith.constant 16 : index
      %parallel_loop3A_330 = tpu.vector_load %arg4[%parallel_loop3A_328, %parallel_loop3A_329] {strides = array<i32>} : memref<375x128xf32, #tpu.memory_space<vmem>>, vector<1x16xf32>,
      %parallel_loop3A_331 = vector.shape_cast %parallel_loop3A_330 : vector<1x16xf32> to vector<16xf32>
      %parallel_loop3A_332 = arith.addf %parallel_loop3A_316, %parallel_loop3A_331 : vector<16xf32>
      %parallel_loop3A_333 = arith.index_cast %parallel_loop3A_314 : i32 to index
      %parallel_loop3A_334 = arith.constant 32 : index
      %parallel_loop3A_335 = tpu.vector_load %arg4[%parallel_loop3A_333, %parallel_loop3A_334] {strides = array<i32>} : memref<375x128xf32, #tpu.memory_space<vmem>>, vector<1x16xf32>,
      %parallel_loop3A_336 = vector.shape_cast %parallel_loop3A_335 : vector<1x16xf32> to vector<16xf32>
      %parallel_loop3A_337 = arith.addf %parallel_loop3A_317, %parallel_loop3A_336 : vector<16xf32>
      %parallel_loop3A_338 = arith.index_cast %parallel_loop3A_314 : i32 to index
      %parallel_loop3A_339 = arith.constant 48 : index
      %parallel_loop3A_340 = tpu.vector_load %arg4[%parallel_loop3A_338, %parallel_loop3A_339] {strides = array<i32>} : memref<375x128xf32, #tpu.memory_space<vmem>>, vector<1x16xf32>,
      %parallel_loop3A_341 = vector.shape_cast %parallel_loop3A_340 : vector<1x16xf32> to vector<16xf32>
      %parallel_loop3A_342 = arith.addf %parallel_loop3A_318, %parallel_loop3A_341 : vector<16xf32>
      %parallel_loop3A_343 = arith.index_cast %parallel_loop3A_314 : i32 to index
      %parallel_loop3A_344 = arith.constant 64 : index
      %parallel_loop3A_345 = tpu.vector_load %arg4[%parallel_loop3A_343, %parallel_loop3A_344] {strides = array<i32>} : memref<375x128xf32, #tpu.memory_space<vmem>>, vector<1x16xf32>,
      %parallel_loop3A_346 = vector.shape_cast %parallel_loop3A_345 : vector<1x16xf32> to vector<16xf32>
      %parallel_loop3A_347 = arith.addf %parallel_loop3A_319, %parallel_loop3A_346 : vector<16xf32>
      %parallel_loop3A_348 = arith.index_cast %parallel_loop3A_314 : i32 to index
      %parallel_loop3A_349 = arith.constant 80 : index
      %parallel_loop3A_350 = tpu.vector_load %arg4[%parallel_loop3A_348, %parallel_loop3A_349] {strides = array<i32>} : memref<375x128xf32, #tpu.memory_space<vmem>>, vector<1x16xf32>,
      %parallel_loop3A_351 = vector.shape_cast %parallel_loop3A_350 : vector<1x16xf32> to vector<16xf32>
      %parallel_loop3A_352 = arith.addf %parallel_loop3A_320, %parallel_loop3A_351 : vector<16xf32>
      %parallel_loop3A_353 = arith.index_cast %parallel_loop3A_314 : i32 to index
      %parallel_loop3A_354 = arith.constant 96 : index
      %parallel_loop3A_355 = tpu.vector_load %arg4[%parallel_loop3A_353, %parallel_loop3A_354] {strides = array<i32>} : memref<375x128xf32, #tpu.memory_space<vmem>>, vector<1x16xf32>,
      %parallel_loop3A_356 = vector.shape_cast %parallel_loop3A_355 : vector<1x16xf32> to vector<16xf32>
      %parallel_loop3A_357 = arith.addf %parallel_loop3A_321, %parallel_loop3A_356 : vector<16xf32>
      %parallel_loop3A_358 = arith.index_cast %parallel_loop3A_314 : i32 to index
      %parallel_loop3A_359 = arith.constant 112 : index
      %parallel_loop3A_360 = tpu.vector_load %arg4[%parallel_loop3A_358, %parallel_loop3A_359] {strides = array<i32>} : memref<375x128xf32, #tpu.memory_space<vmem>>, vector<1x16xf32>,
      %parallel_loop3A_361 = vector.shape_cast %parallel_loop3A_360 : vector<1x16xf32> to vector<16xf32>
      %parallel_loop3A_362 = arith.addf %parallel_loop3A_322, %parallel_loop3A_361 : vector<16xf32>
      scf.yield %parallel_loop3A_327, %parallel_loop3A_332, %parallel_loop3A_337, %parallel_loop3A_342, %parallel_loop3A_347, %parallel_loop3A_352, %parallel_loop3A_357, %parallel_loop3A_362 : vector<16xf32>, vector<16xf32>, vector<16xf32>, vector<16xf32>, vector<16xf32>, vector<16xf32>, vector<16xf32>, vector<16xf32>
    } {sc.loop_unroll_factor = 8 : i64, sc.parallel_access}
    %add3A_147 = arith.constant 3750 : i32
    %add3A_148 = arith.addi %add3A_4, %add3A_147 : i32
    %dma_start3A_149 = arith.constant 0 : i32
    %dma_start3A_150 = tpu.memref_slice %arg2[%add3A_148, %dma_start3A_149] : memref<320000x128xf32, #tpu.memory_space<hbm>> -> memref<375x128xf32, #tpu.memory_space<hbm>>
    %dma_start3A_151 = arith.constant 0 : i32
    %dma_start3A_152 = tpu.memref_slice %arg2[%add3A_148, %dma_start3A_151] : memref<320000x128xf32, #tpu.memory_space<hbm>> -> memref<375x128xf32, #tpu.memory_space<hbm>>
    tpu.enqueue_dma source(%dma_start3A_152 : memref<375x128xf32, #tpu.memory_space<hbm>>) target(%arg4 : memref<375x128xf32, #tpu.memory_space<vmem>>) target_semaphore(%arg7 : memref<!tpu.dma_semaphore, #tpu.memory_space<semaphore_mem>>)
    %dma_wait3A_153 = arith.constant 0 : i32
    %dma_wait3A_154 = tpu.memref_slice %arg2[%add3A_134, %dma_wait3A_153] : memref<320000x128xf32, #tpu.memory_space<hbm>> -> memref<375x128xf32, #tpu.memory_space<hbm>>
    %dma_wait3A_155 = arith.constant 0 : i32
    %dma_wait3A_156 = tpu.memref_slice %arg2[%add3A_134, %dma_wait3A_155] : memref<320000x128xf32, #tpu.memory_space<hbm>> -> memref<375x128xf32, #tpu.memory_space<hbm>>
    tpu.wait_dma2 semaphore(%arg8 : memref<!tpu.dma_semaphore, #tpu.memory_space<semaphore_mem>>) src(%dma_wait3A_156 : memref<375x128xf32, #tpu.memory_space<hbm>>) dst(%arg5 : memref<375x128xf32, #tpu.memory_space<vmem>>)
    %parallel_loop3A_157 = arith.constant 0 : i32
    %parallel_loop3A_158 = arith.constant 375 : i32
    %parallel_loop3A_159 = arith.constant 1 : i32
    %parallel_loop3A_160:8 = scf.for %parallel_loop3A_314 = %parallel_loop3A_157 to %parallel_loop3A_158 step %parallel_loop3A_159 iter_args(%parallel_loop3A_315 = %parallel_loop3A_146#0, %parallel_loop3A_316 = %parallel_loop3A_146#1, %parallel_loop3A_317 = %parallel_loop3A_146#2, %parallel_loop3A_318 = %parallel_loop3A_146#3, %parallel_loop3A_319 = %parallel_loop3A_146#4, %parallel_loop3A_320 = %parallel_loop3A_146#5, %parallel_loop3A_321 = %parallel_loop3A_146#6, %parallel_loop3A_322 = %parallel_loop3A_146#7) -> (vector<16xf32>, vector<16xf32>, vector<16xf32>, vector<16xf32>, vector<16xf32>, vector<16xf32>, vector<16xf32>, vector<16xf32>)  : i32 {
      %parallel_loop3A_323 = arith.index_cast %parallel_loop3A_314 : i32 to index
      %parallel_loop3A_324 = arith.constant 0 : index
      %parallel_loop3A_325 = tpu.vector_load %arg5[%parallel_loop3A_323, %parallel_loop3A_324] {strides = array<i32>} : memref<375x128xf32, #tpu.memory_space<vmem>>, vector<1x16xf32>,
      %parallel_loop3A_326 = vector.shape_cast %parallel_loop3A_325 : vector<1x16xf32> to vector<16xf32>
      %parallel_loop3A_327 = arith.addf %parallel_loop3A_315, %parallel_loop3A_326 : vector<16xf32>
      %parallel_loop3A_328 = arith.index_cast %parallel_loop3A_314 : i32 to index
      %parallel_loop3A_329 = arith.constant 16 : index
      %parallel_loop3A_330 = tpu.vector_load %arg5[%parallel_loop3A_328, %parallel_loop3A_329] {strides = array<i32>} : memref<375x128xf32, #tpu.memory_space<vmem>>, vector<1x16xf32>,
      %parallel_loop3A_331 = vector.shape_cast %parallel_loop3A_330 : vector<1x16xf32> to vector<16xf32>
      %parallel_loop3A_332 = arith.addf %parallel_loop3A_316, %parallel_loop3A_331 : vector<16xf32>
      %parallel_loop3A_333 = arith.index_cast %parallel_loop3A_314 : i32 to index
      %parallel_loop3A_334 = arith.constant 32 : index
      %parallel_loop3A_335 = tpu.vector_load %arg5[%parallel_loop3A_333, %parallel_loop3A_334] {strides = array<i32>} : memref<375x128xf32, #tpu.memory_space<vmem>>, vector<1x16xf32>,
      %parallel_loop3A_336 = vector.shape_cast %parallel_loop3A_335 : vector<1x16xf32> to vector<16xf32>
      %parallel_loop3A_337 = arith.addf %parallel_loop3A_317, %parallel_loop3A_336 : vector<16xf32>
      %parallel_loop3A_338 = arith.index_cast %parallel_loop3A_314 : i32 to index
      %parallel_loop3A_339 = arith.constant 48 : index
      %parallel_loop3A_340 = tpu.vector_load %arg5[%parallel_loop3A_338, %parallel_loop3A_339] {strides = array<i32>} : memref<375x128xf32, #tpu.memory_space<vmem>>, vector<1x16xf32>,
      %parallel_loop3A_341 = vector.shape_cast %parallel_loop3A_340 : vector<1x16xf32> to vector<16xf32>
      %parallel_loop3A_342 = arith.addf %parallel_loop3A_318, %parallel_loop3A_341 : vector<16xf32>
      %parallel_loop3A_343 = arith.index_cast %parallel_loop3A_314 : i32 to index
      %parallel_loop3A_344 = arith.constant 64 : index
      %parallel_loop3A_345 = tpu.vector_load %arg5[%parallel_loop3A_343, %parallel_loop3A_344] {strides = array<i32>} : memref<375x128xf32, #tpu.memory_space<vmem>>, vector<1x16xf32>,
      %parallel_loop3A_346 = vector.shape_cast %parallel_loop3A_345 : vector<1x16xf32> to vector<16xf32>
      %parallel_loop3A_347 = arith.addf %parallel_loop3A_319, %parallel_loop3A_346 : vector<16xf32>
      %parallel_loop3A_348 = arith.index_cast %parallel_loop3A_314 : i32 to index
      %parallel_loop3A_349 = arith.constant 80 : index
      %parallel_loop3A_350 = tpu.vector_load %arg5[%parallel_loop3A_348, %parallel_loop3A_349] {strides = array<i32>} : memref<375x128xf32, #tpu.memory_space<vmem>>, vector<1x16xf32>,
      %parallel_loop3A_351 = vector.shape_cast %parallel_loop3A_350 : vector<1x16xf32> to vector<16xf32>
      %parallel_loop3A_352 = arith.addf %parallel_loop3A_320, %parallel_loop3A_351 : vector<16xf32>
      %parallel_loop3A_353 = arith.index_cast %parallel_loop3A_314 : i32 to index
      %parallel_loop3A_354 = arith.constant 96 : index
      %parallel_loop3A_355 = tpu.vector_load %arg5[%parallel_loop3A_353, %parallel_loop3A_354] {strides = array<i32>} : memref<375x128xf32, #tpu.memory_space<vmem>>, vector<1x16xf32>,
      %parallel_loop3A_356 = vector.shape_cast %parallel_loop3A_355 : vector<1x16xf32> to vector<16xf32>
      %parallel_loop3A_357 = arith.addf %parallel_loop3A_321, %parallel_loop3A_356 : vector<16xf32>
      %parallel_loop3A_358 = arith.index_cast %parallel_loop3A_314 : i32 to index
      %parallel_loop3A_359 = arith.constant 112 : index
      %parallel_loop3A_360 = tpu.vector_load %arg5[%parallel_loop3A_358, %parallel_loop3A_359] {strides = array<i32>} : memref<375x128xf32, #tpu.memory_space<vmem>>, vector<1x16xf32>,
      %parallel_loop3A_361 = vector.shape_cast %parallel_loop3A_360 : vector<1x16xf32> to vector<16xf32>
      %parallel_loop3A_362 = arith.addf %parallel_loop3A_322, %parallel_loop3A_361 : vector<16xf32>
      scf.yield %parallel_loop3A_327, %parallel_loop3A_332, %parallel_loop3A_337, %parallel_loop3A_342, %parallel_loop3A_347, %parallel_loop3A_352, %parallel_loop3A_357, %parallel_loop3A_362 : vector<16xf32>, vector<16xf32>, vector<16xf32>, vector<16xf32>, vector<16xf32>, vector<16xf32>, vector<16xf32>, vector<16xf32>
    } {sc.loop_unroll_factor = 8 : i64, sc.parallel_access}
    %add3A_161 = arith.constant 4125 : i32
    %add3A_162 = arith.addi %add3A_4, %add3A_161 : i32
    %dma_start3A_163 = arith.constant 0 : i32
    %dma_start3A_164 = tpu.memref_slice %arg2[%add3A_162, %dma_start3A_163] : memref<320000x128xf32, #tpu.memory_space<hbm>> -> memref<375x128xf32, #tpu.memory_space<hbm>>
    %dma_start3A_165 = arith.constant 0 : i32
    %dma_start3A_166 = tpu.memref_slice %arg2[%add3A_162, %dma_start3A_165] : memref<320000x128xf32, #tpu.memory_space<hbm>> -> memref<375x128xf32, #tpu.memory_space<hbm>>
    tpu.enqueue_dma source(%dma_start3A_166 : memref<375x128xf32, #tpu.memory_space<hbm>>) target(%arg5 : memref<375x128xf32, #tpu.memory_space<vmem>>) target_semaphore(%arg8 : memref<!tpu.dma_semaphore, #tpu.memory_space<semaphore_mem>>)
    %dma_wait3A_167 = arith.constant 0 : i32
    %dma_wait3A_168 = tpu.memref_slice %arg2[%add3A_148, %dma_wait3A_167] : memref<320000x128xf32, #tpu.memory_space<hbm>> -> memref<375x128xf32, #tpu.memory_space<hbm>>
    %dma_wait3A_169 = arith.constant 0 : i32
    %dma_wait3A_170 = tpu.memref_slice %arg2[%add3A_148, %dma_wait3A_169] : memref<320000x128xf32, #tpu.memory_space<hbm>> -> memref<375x128xf32, #tpu.memory_space<hbm>>
    tpu.wait_dma2 semaphore(%arg7 : memref<!tpu.dma_semaphore, #tpu.memory_space<semaphore_mem>>) src(%dma_wait3A_170 : memref<375x128xf32, #tpu.memory_space<hbm>>) dst(%arg4 : memref<375x128xf32, #tpu.memory_space<vmem>>)
    %parallel_loop3A_171 = arith.constant 0 : i32
    %parallel_loop3A_172 = arith.constant 375 : i32
    %parallel_loop3A_173 = arith.constant 1 : i32
    %parallel_loop3A_174:8 = scf.for %parallel_loop3A_314 = %parallel_loop3A_171 to %parallel_loop3A_172 step %parallel_loop3A_173 iter_args(%parallel_loop3A_315 = %parallel_loop3A_160#0, %parallel_loop3A_316 = %parallel_loop3A_160#1, %parallel_loop3A_317 = %parallel_loop3A_160#2, %parallel_loop3A_318 = %parallel_loop3A_160#3, %parallel_loop3A_319 = %parallel_loop3A_160#4, %parallel_loop3A_320 = %parallel_loop3A_160#5, %parallel_loop3A_321 = %parallel_loop3A_160#6, %parallel_loop3A_322 = %parallel_loop3A_160#7) -> (vector<16xf32>, vector<16xf32>, vector<16xf32>, vector<16xf32>, vector<16xf32>, vector<16xf32>, vector<16xf32>, vector<16xf32>)  : i32 {
      %parallel_loop3A_323 = arith.index_cast %parallel_loop3A_314 : i32 to index
      %parallel_loop3A_324 = arith.constant 0 : index
      %parallel_loop3A_325 = tpu.vector_load %arg4[%parallel_loop3A_323, %parallel_loop3A_324] {strides = array<i32>} : memref<375x128xf32, #tpu.memory_space<vmem>>, vector<1x16xf32>,
      %parallel_loop3A_326 = vector.shape_cast %parallel_loop3A_325 : vector<1x16xf32> to vector<16xf32>
      %parallel_loop3A_327 = arith.addf %parallel_loop3A_315, %parallel_loop3A_326 : vector<16xf32>
      %parallel_loop3A_328 = arith.index_cast %parallel_loop3A_314 : i32 to index
      %parallel_loop3A_329 = arith.constant 16 : index
      %parallel_loop3A_330 = tpu.vector_load %arg4[%parallel_loop3A_328, %parallel_loop3A_329] {strides = array<i32>} : memref<375x128xf32, #tpu.memory_space<vmem>>, vector<1x16xf32>,
      %parallel_loop3A_331 = vector.shape_cast %parallel_loop3A_330 : vector<1x16xf32> to vector<16xf32>
      %parallel_loop3A_332 = arith.addf %parallel_loop3A_316, %parallel_loop3A_331 : vector<16xf32>
      %parallel_loop3A_333 = arith.index_cast %parallel_loop3A_314 : i32 to index
      %parallel_loop3A_334 = arith.constant 32 : index
      %parallel_loop3A_335 = tpu.vector_load %arg4[%parallel_loop3A_333, %parallel_loop3A_334] {strides = array<i32>} : memref<375x128xf32, #tpu.memory_space<vmem>>, vector<1x16xf32>,
      %parallel_loop3A_336 = vector.shape_cast %parallel_loop3A_335 : vector<1x16xf32> to vector<16xf32>
      %parallel_loop3A_337 = arith.addf %parallel_loop3A_317, %parallel_loop3A_336 : vector<16xf32>
      %parallel_loop3A_338 = arith.index_cast %parallel_loop3A_314 : i32 to index
      %parallel_loop3A_339 = arith.constant 48 : index
      %parallel_loop3A_340 = tpu.vector_load %arg4[%parallel_loop3A_338, %parallel_loop3A_339] {strides = array<i32>} : memref<375x128xf32, #tpu.memory_space<vmem>>, vector<1x16xf32>,
      %parallel_loop3A_341 = vector.shape_cast %parallel_loop3A_340 : vector<1x16xf32> to vector<16xf32>
      %parallel_loop3A_342 = arith.addf %parallel_loop3A_318, %parallel_loop3A_341 : vector<16xf32>
      %parallel_loop3A_343 = arith.index_cast %parallel_loop3A_314 : i32 to index
      %parallel_loop3A_344 = arith.constant 64 : index
      %parallel_loop3A_345 = tpu.vector_load %arg4[%parallel_loop3A_343, %parallel_loop3A_344] {strides = array<i32>} : memref<375x128xf32, #tpu.memory_space<vmem>>, vector<1x16xf32>,
      %parallel_loop3A_346 = vector.shape_cast %parallel_loop3A_345 : vector<1x16xf32> to vector<16xf32>
      %parallel_loop3A_347 = arith.addf %parallel_loop3A_319, %parallel_loop3A_346 : vector<16xf32>
      %parallel_loop3A_348 = arith.index_cast %parallel_loop3A_314 : i32 to index
      %parallel_loop3A_349 = arith.constant 80 : index
      %parallel_loop3A_350 = tpu.vector_load %arg4[%parallel_loop3A_348, %parallel_loop3A_349] {strides = array<i32>} : memref<375x128xf32, #tpu.memory_space<vmem>>, vector<1x16xf32>,
      %parallel_loop3A_351 = vector.shape_cast %parallel_loop3A_350 : vector<1x16xf32> to vector<16xf32>
      %parallel_loop3A_352 = arith.addf %parallel_loop3A_320, %parallel_loop3A_351 : vector<16xf32>
      %parallel_loop3A_353 = arith.index_cast %parallel_loop3A_314 : i32 to index
      %parallel_loop3A_354 = arith.constant 96 : index
      %parallel_loop3A_355 = tpu.vector_load %arg4[%parallel_loop3A_353, %parallel_loop3A_354] {strides = array<i32>} : memref<375x128xf32, #tpu.memory_space<vmem>>, vector<1x16xf32>,
      %parallel_loop3A_356 = vector.shape_cast %parallel_loop3A_355 : vector<1x16xf32> to vector<16xf32>
      %parallel_loop3A_357 = arith.addf %parallel_loop3A_321, %parallel_loop3A_356 : vector<16xf32>
      %parallel_loop3A_358 = arith.index_cast %parallel_loop3A_314 : i32 to index
      %parallel_loop3A_359 = arith.constant 112 : index
      %parallel_loop3A_360 = tpu.vector_load %arg4[%parallel_loop3A_358, %parallel_loop3A_359] {strides = array<i32>} : memref<375x128xf32, #tpu.memory_space<vmem>>, vector<1x16xf32>,
      %parallel_loop3A_361 = vector.shape_cast %parallel_loop3A_360 : vector<1x16xf32> to vector<16xf32>
      %parallel_loop3A_362 = arith.addf %parallel_loop3A_322, %parallel_loop3A_361 : vector<16xf32>
      scf.yield %parallel_loop3A_327, %parallel_loop3A_332, %parallel_loop3A_337, %parallel_loop3A_342, %parallel_loop3A_347, %parallel_loop3A_352, %parallel_loop3A_357, %parallel_loop3A_362 : vector<16xf32>, vector<16xf32>, vector<16xf32>, vector<16xf32>, vector<16xf32>, vector<16xf32>, vector<16xf32>, vector<16xf32>
    } {sc.loop_unroll_factor = 8 : i64, sc.parallel_access}
    %add3A_175 = arith.constant 4500 : i32
    %add3A_176 = arith.addi %add3A_4, %add3A_175 : i32
    %dma_start3A_177 = arith.constant 0 : i32
    %dma_start3A_178 = tpu.memref_slice %arg2[%add3A_176, %dma_start3A_177] : memref<320000x128xf32, #tpu.memory_space<hbm>> -> memref<375x128xf32, #tpu.memory_space<hbm>>
    %dma_start3A_179 = arith.constant 0 : i32
    %dma_start3A_180 = tpu.memref_slice %arg2[%add3A_176, %dma_start3A_179] : memref<320000x128xf32, #tpu.memory_space<hbm>> -> memref<375x128xf32, #tpu.memory_space<hbm>>
    tpu.enqueue_dma source(%dma_start3A_180 : memref<375x128xf32, #tpu.memory_space<hbm>>) target(%arg4 : memref<375x128xf32, #tpu.memory_space<vmem>>) target_semaphore(%arg7 : memref<!tpu.dma_semaphore, #tpu.memory_space<semaphore_mem>>)
    %dma_wait3A_181 = arith.constant 0 : i32
    %dma_wait3A_182 = tpu.memref_slice %arg2[%add3A_162, %dma_wait3A_181] : memref<320000x128xf32, #tpu.memory_space<hbm>> -> memref<375x128xf32, #tpu.memory_space<hbm>>
    %dma_wait3A_183 = arith.constant 0 : i32
    %dma_wait3A_184 = tpu.memref_slice %arg2[%add3A_162, %dma_wait3A_183] : memref<320000x128xf32, #tpu.memory_space<hbm>> -> memref<375x128xf32, #tpu.memory_space<hbm>>
    tpu.wait_dma2 semaphore(%arg8 : memref<!tpu.dma_semaphore, #tpu.memory_space<semaphore_mem>>) src(%dma_wait3A_184 : memref<375x128xf32, #tpu.memory_space<hbm>>) dst(%arg5 : memref<375x128xf32, #tpu.memory_space<vmem>>)
    %parallel_loop3A_185 = arith.constant 0 : i32
    %parallel_loop3A_186 = arith.constant 375 : i32
    %parallel_loop3A_187 = arith.constant 1 : i32
    %parallel_loop3A_188:8 = scf.for %parallel_loop3A_314 = %parallel_loop3A_185 to %parallel_loop3A_186 step %parallel_loop3A_187 iter_args(%parallel_loop3A_315 = %parallel_loop3A_174#0, %parallel_loop3A_316 = %parallel_loop3A_174#1, %parallel_loop3A_317 = %parallel_loop3A_174#2, %parallel_loop3A_318 = %parallel_loop3A_174#3, %parallel_loop3A_319 = %parallel_loop3A_174#4, %parallel_loop3A_320 = %parallel_loop3A_174#5, %parallel_loop3A_321 = %parallel_loop3A_174#6, %parallel_loop3A_322 = %parallel_loop3A_174#7) -> (vector<16xf32>, vector<16xf32>, vector<16xf32>, vector<16xf32>, vector<16xf32>, vector<16xf32>, vector<16xf32>, vector<16xf32>)  : i32 {
      %parallel_loop3A_323 = arith.index_cast %parallel_loop3A_314 : i32 to index
      %parallel_loop3A_324 = arith.constant 0 : index
      %parallel_loop3A_325 = tpu.vector_load %arg5[%parallel_loop3A_323, %parallel_loop3A_324] {strides = array<i32>} : memref<375x128xf32, #tpu.memory_space<vmem>>, vector<1x16xf32>,
      %parallel_loop3A_326 = vector.shape_cast %parallel_loop3A_325 : vector<1x16xf32> to vector<16xf32>
      %parallel_loop3A_327 = arith.addf %parallel_loop3A_315, %parallel_loop3A_326 : vector<16xf32>
      %parallel_loop3A_328 = arith.index_cast %parallel_loop3A_314 : i32 to index
      %parallel_loop3A_329 = arith.constant 16 : index
      %parallel_loop3A_330 = tpu.vector_load %arg5[%parallel_loop3A_328, %parallel_loop3A_329] {strides = array<i32>} : memref<375x128xf32, #tpu.memory_space<vmem>>, vector<1x16xf32>,
      %parallel_loop3A_331 = vector.shape_cast %parallel_loop3A_330 : vector<1x16xf32> to vector<16xf32>
      %parallel_loop3A_332 = arith.addf %parallel_loop3A_316, %parallel_loop3A_331 : vector<16xf32>
      %parallel_loop3A_333 = arith.index_cast %parallel_loop3A_314 : i32 to index
      %parallel_loop3A_334 = arith.constant 32 : index
      %parallel_loop3A_335 = tpu.vector_load %arg5[%parallel_loop3A_333, %parallel_loop3A_334] {strides = array<i32>} : memref<375x128xf32, #tpu.memory_space<vmem>>, vector<1x16xf32>,
      %parallel_loop3A_336 = vector.shape_cast %parallel_loop3A_335 : vector<1x16xf32> to vector<16xf32>
      %parallel_loop3A_337 = arith.addf %parallel_loop3A_317, %parallel_loop3A_336 : vector<16xf32>
      %parallel_loop3A_338 = arith.index_cast %parallel_loop3A_314 : i32 to index
      %parallel_loop3A_339 = arith.constant 48 : index
      %parallel_loop3A_340 = tpu.vector_load %arg5[%parallel_loop3A_338, %parallel_loop3A_339] {strides = array<i32>} : memref<375x128xf32, #tpu.memory_space<vmem>>, vector<1x16xf32>,
      %parallel_loop3A_341 = vector.shape_cast %parallel_loop3A_340 : vector<1x16xf32> to vector<16xf32>
      %parallel_loop3A_342 = arith.addf %parallel_loop3A_318, %parallel_loop3A_341 : vector<16xf32>
      %parallel_loop3A_343 = arith.index_cast %parallel_loop3A_314 : i32 to index
      %parallel_loop3A_344 = arith.constant 64 : index
      %parallel_loop3A_345 = tpu.vector_load %arg5[%parallel_loop3A_343, %parallel_loop3A_344] {strides = array<i32>} : memref<375x128xf32, #tpu.memory_space<vmem>>, vector<1x16xf32>,
      %parallel_loop3A_346 = vector.shape_cast %parallel_loop3A_345 : vector<1x16xf32> to vector<16xf32>
      %parallel_loop3A_347 = arith.addf %parallel_loop3A_319, %parallel_loop3A_346 : vector<16xf32>
      %parallel_loop3A_348 = arith.index_cast %parallel_loop3A_314 : i32 to index
      %parallel_loop3A_349 = arith.constant 80 : index
      %parallel_loop3A_350 = tpu.vector_load %arg5[%parallel_loop3A_348, %parallel_loop3A_349] {strides = array<i32>} : memref<375x128xf32, #tpu.memory_space<vmem>>, vector<1x16xf32>,
      %parallel_loop3A_351 = vector.shape_cast %parallel_loop3A_350 : vector<1x16xf32> to vector<16xf32>
      %parallel_loop3A_352 = arith.addf %parallel_loop3A_320, %parallel_loop3A_351 : vector<16xf32>
      %parallel_loop3A_353 = arith.index_cast %parallel_loop3A_314 : i32 to index
      %parallel_loop3A_354 = arith.constant 96 : index
      %parallel_loop3A_355 = tpu.vector_load %arg5[%parallel_loop3A_353, %parallel_loop3A_354] {strides = array<i32>} : memref<375x128xf32, #tpu.memory_space<vmem>>, vector<1x16xf32>,
      %parallel_loop3A_356 = vector.shape_cast %parallel_loop3A_355 : vector<1x16xf32> to vector<16xf32>
      %parallel_loop3A_357 = arith.addf %parallel_loop3A_321, %parallel_loop3A_356 : vector<16xf32>
      %parallel_loop3A_358 = arith.index_cast %parallel_loop3A_314 : i32 to index
      %parallel_loop3A_359 = arith.constant 112 : index
      %parallel_loop3A_360 = tpu.vector_load %arg5[%parallel_loop3A_358, %parallel_loop3A_359] {strides = array<i32>} : memref<375x128xf32, #tpu.memory_space<vmem>>, vector<1x16xf32>,
      %parallel_loop3A_361 = vector.shape_cast %parallel_loop3A_360 : vector<1x16xf32> to vector<16xf32>
      %parallel_loop3A_362 = arith.addf %parallel_loop3A_322, %parallel_loop3A_361 : vector<16xf32>
      scf.yield %parallel_loop3A_327, %parallel_loop3A_332, %parallel_loop3A_337, %parallel_loop3A_342, %parallel_loop3A_347, %parallel_loop3A_352, %parallel_loop3A_357, %parallel_loop3A_362 : vector<16xf32>, vector<16xf32>, vector<16xf32>, vector<16xf32>, vector<16xf32>, vector<16xf32>, vector<16xf32>, vector<16xf32>
    } {sc.loop_unroll_factor = 8 : i64, sc.parallel_access}
    %add3A_189 = arith.constant 4875 : i32
    %add3A_190 = arith.addi %add3A_4, %add3A_189 : i32
    %dma_start3A_191 = arith.constant 0 : i32
    %dma_start3A_192 = tpu.memref_slice %arg2[%add3A_190, %dma_start3A_191] : memref<320000x128xf32, #tpu.memory_space<hbm>> -> memref<375x128xf32, #tpu.memory_space<hbm>>
    %dma_start3A_193 = arith.constant 0 : i32
    %dma_start3A_194 = tpu.memref_slice %arg2[%add3A_190, %dma_start3A_193] : memref<320000x128xf32, #tpu.memory_space<hbm>> -> memref<375x128xf32, #tpu.memory_space<hbm>>
    tpu.enqueue_dma source(%dma_start3A_194 : memref<375x128xf32, #tpu.memory_space<hbm>>) target(%arg5 : memref<375x128xf32, #tpu.memory_space<vmem>>) target_semaphore(%arg8 : memref<!tpu.dma_semaphore, #tpu.memory_space<semaphore_mem>>)
    %dma_wait3A_195 = arith.constant 0 : i32
    %dma_wait3A_196 = tpu.memref_slice %arg2[%add3A_176, %dma_wait3A_195] : memref<320000x128xf32, #tpu.memory_space<hbm>> -> memref<375x128xf32, #tpu.memory_space<hbm>>
    %dma_wait3A_197 = arith.constant 0 : i32
    %dma_wait3A_198 = tpu.memref_slice %arg2[%add3A_176, %dma_wait3A_197] : memref<320000x128xf32, #tpu.memory_space<hbm>> -> memref<375x128xf32, #tpu.memory_space<hbm>>
    tpu.wait_dma2 semaphore(%arg7 : memref<!tpu.dma_semaphore, #tpu.memory_space<semaphore_mem>>) src(%dma_wait3A_198 : memref<375x128xf32, #tpu.memory_space<hbm>>) dst(%arg4 : memref<375x128xf32, #tpu.memory_space<vmem>>)
    %parallel_loop3A_199 = arith.constant 0 : i32
    %parallel_loop3A_200 = arith.constant 375 : i32
    %parallel_loop3A_201 = arith.constant 1 : i32
    %parallel_loop3A_202:8 = scf.for %parallel_loop3A_314 = %parallel_loop3A_199 to %parallel_loop3A_200 step %parallel_loop3A_201 iter_args(%parallel_loop3A_315 = %parallel_loop3A_188#0, %parallel_loop3A_316 = %parallel_loop3A_188#1, %parallel_loop3A_317 = %parallel_loop3A_188#2, %parallel_loop3A_318 = %parallel_loop3A_188#3, %parallel_loop3A_319 = %parallel_loop3A_188#4, %parallel_loop3A_320 = %parallel_loop3A_188#5, %parallel_loop3A_321 = %parallel_loop3A_188#6, %parallel_loop3A_322 = %parallel_loop3A_188#7) -> (vector<16xf32>, vector<16xf32>, vector<16xf32>, vector<16xf32>, vector<16xf32>, vector<16xf32>, vector<16xf32>, vector<16xf32>)  : i32 {
      %parallel_loop3A_323 = arith.index_cast %parallel_loop3A_314 : i32 to index
      %parallel_loop3A_324 = arith.constant 0 : index
      %parallel_loop3A_325 = tpu.vector_load %arg4[%parallel_loop3A_323, %parallel_loop3A_324] {strides = array<i32>} : memref<375x128xf32, #tpu.memory_space<vmem>>, vector<1x16xf32>,
      %parallel_loop3A_326 = vector.shape_cast %parallel_loop3A_325 : vector<1x16xf32> to vector<16xf32>
      %parallel_loop3A_327 = arith.addf %parallel_loop3A_315, %parallel_loop3A_326 : vector<16xf32>
      %parallel_loop3A_328 = arith.index_cast %parallel_loop3A_314 : i32 to index
      %parallel_loop3A_329 = arith.constant 16 : index
      %parallel_loop3A_330 = tpu.vector_load %arg4[%parallel_loop3A_328, %parallel_loop3A_329] {strides = array<i32>} : memref<375x128xf32, #tpu.memory_space<vmem>>, vector<1x16xf32>,
      %parallel_loop3A_331 = vector.shape_cast %parallel_loop3A_330 : vector<1x16xf32> to vector<16xf32>
      %parallel_loop3A_332 = arith.addf %parallel_loop3A_316, %parallel_loop3A_331 : vector<16xf32>
      %parallel_loop3A_333 = arith.index_cast %parallel_loop3A_314 : i32 to index
      %parallel_loop3A_334 = arith.constant 32 : index
      %parallel_loop3A_335 = tpu.vector_load %arg4[%parallel_loop3A_333, %parallel_loop3A_334] {strides = array<i32>} : memref<375x128xf32, #tpu.memory_space<vmem>>, vector<1x16xf32>,
      %parallel_loop3A_336 = vector.shape_cast %parallel_loop3A_335 : vector<1x16xf32> to vector<16xf32>
      %parallel_loop3A_337 = arith.addf %parallel_loop3A_317, %parallel_loop3A_336 : vector<16xf32>
      %parallel_loop3A_338 = arith.index_cast %parallel_loop3A_314 : i32 to index
      %parallel_loop3A_339 = arith.constant 48 : index
      %parallel_loop3A_340 = tpu.vector_load %arg4[%parallel_loop3A_338, %parallel_loop3A_339] {strides = array<i32>} : memref<375x128xf32, #tpu.memory_space<vmem>>, vector<1x16xf32>,
      %parallel_loop3A_341 = vector.shape_cast %parallel_loop3A_340 : vector<1x16xf32> to vector<16xf32>
      %parallel_loop3A_342 = arith.addf %parallel_loop3A_318, %parallel_loop3A_341 : vector<16xf32>
      %parallel_loop3A_343 = arith.index_cast %parallel_loop3A_314 : i32 to index
      %parallel_loop3A_344 = arith.constant 64 : index
      %parallel_loop3A_345 = tpu.vector_load %arg4[%parallel_loop3A_343, %parallel_loop3A_344] {strides = array<i32>} : memref<375x128xf32, #tpu.memory_space<vmem>>, vector<1x16xf32>,
      %parallel_loop3A_346 = vector.shape_cast %parallel_loop3A_345 : vector<1x16xf32> to vector<16xf32>
      %parallel_loop3A_347 = arith.addf %parallel_loop3A_319, %parallel_loop3A_346 : vector<16xf32>
      %parallel_loop3A_348 = arith.index_cast %parallel_loop3A_314 : i32 to index
      %parallel_loop3A_349 = arith.constant 80 : index
      %parallel_loop3A_350 = tpu.vector_load %arg4[%parallel_loop3A_348, %parallel_loop3A_349] {strides = array<i32>} : memref<375x128xf32, #tpu.memory_space<vmem>>, vector<1x16xf32>,
      %parallel_loop3A_351 = vector.shape_cast %parallel_loop3A_350 : vector<1x16xf32> to vector<16xf32>
      %parallel_loop3A_352 = arith.addf %parallel_loop3A_320, %parallel_loop3A_351 : vector<16xf32>
      %parallel_loop3A_353 = arith.index_cast %parallel_loop3A_314 : i32 to index
      %parallel_loop3A_354 = arith.constant 96 : index
      %parallel_loop3A_355 = tpu.vector_load %arg4[%parallel_loop3A_353, %parallel_loop3A_354] {strides = array<i32>} : memref<375x128xf32, #tpu.memory_space<vmem>>, vector<1x16xf32>,
      %parallel_loop3A_356 = vector.shape_cast %parallel_loop3A_355 : vector<1x16xf32> to vector<16xf32>
      %parallel_loop3A_357 = arith.addf %parallel_loop3A_321, %parallel_loop3A_356 : vector<16xf32>
      %parallel_loop3A_358 = arith.index_cast %parallel_loop3A_314 : i32 to index
      %parallel_loop3A_359 = arith.constant 112 : index
      %parallel_loop3A_360 = tpu.vector_load %arg4[%parallel_loop3A_358, %parallel_loop3A_359] {strides = array<i32>} : memref<375x128xf32, #tpu.memory_space<vmem>>, vector<1x16xf32>,
      %parallel_loop3A_361 = vector.shape_cast %parallel_loop3A_360 : vector<1x16xf32> to vector<16xf32>
      %parallel_loop3A_362 = arith.addf %parallel_loop3A_322, %parallel_loop3A_361 : vector<16xf32>
      scf.yield %parallel_loop3A_327, %parallel_loop3A_332, %parallel_loop3A_337, %parallel_loop3A_342, %parallel_loop3A_347, %parallel_loop3A_352, %parallel_loop3A_357, %parallel_loop3A_362 : vector<16xf32>, vector<16xf32>, vector<16xf32>, vector<16xf32>, vector<16xf32>, vector<16xf32>, vector<16xf32>, vector<16xf32>
    } {sc.loop_unroll_factor = 8 : i64, sc.parallel_access}
    %add3A_203 = arith.constant 5250 : i32
    %add3A_204 = arith.addi %add3A_4, %add3A_203 : i32
    %dma_start3A_205 = arith.constant 0 : i32
    %dma_start3A_206 = tpu.memref_slice %arg2[%add3A_204, %dma_start3A_205] : memref<320000x128xf32, #tpu.memory_space<hbm>> -> memref<375x128xf32, #tpu.memory_space<hbm>>
    %dma_start3A_207 = arith.constant 0 : i32
    %dma_start3A_208 = tpu.memref_slice %arg2[%add3A_204, %dma_start3A_207] : memref<320000x128xf32, #tpu.memory_space<hbm>> -> memref<375x128xf32, #tpu.memory_space<hbm>>
    tpu.enqueue_dma source(%dma_start3A_208 : memref<375x128xf32, #tpu.memory_space<hbm>>) target(%arg4 : memref<375x128xf32, #tpu.memory_space<vmem>>) target_semaphore(%arg7 : memref<!tpu.dma_semaphore, #tpu.memory_space<semaphore_mem>>)
    %dma_wait3A_209 = arith.constant 0 : i32
    %dma_wait3A_210 = tpu.memref_slice %arg2[%add3A_190, %dma_wait3A_209] : memref<320000x128xf32, #tpu.memory_space<hbm>> -> memref<375x128xf32, #tpu.memory_space<hbm>>
    %dma_wait3A_211 = arith.constant 0 : i32
    %dma_wait3A_212 = tpu.memref_slice %arg2[%add3A_190, %dma_wait3A_211] : memref<320000x128xf32, #tpu.memory_space<hbm>> -> memref<375x128xf32, #tpu.memory_space<hbm>>
    tpu.wait_dma2 semaphore(%arg8 : memref<!tpu.dma_semaphore, #tpu.memory_space<semaphore_mem>>) src(%dma_wait3A_212 : memref<375x128xf32, #tpu.memory_space<hbm>>) dst(%arg5 : memref<375x128xf32, #tpu.memory_space<vmem>>)
    %parallel_loop3A_213 = arith.constant 0 : i32
    %parallel_loop3A_214 = arith.constant 375 : i32
    %parallel_loop3A_215 = arith.constant 1 : i32
    %parallel_loop3A_216:8 = scf.for %parallel_loop3A_314 = %parallel_loop3A_213 to %parallel_loop3A_214 step %parallel_loop3A_215 iter_args(%parallel_loop3A_315 = %parallel_loop3A_202#0, %parallel_loop3A_316 = %parallel_loop3A_202#1, %parallel_loop3A_317 = %parallel_loop3A_202#2, %parallel_loop3A_318 = %parallel_loop3A_202#3, %parallel_loop3A_319 = %parallel_loop3A_202#4, %parallel_loop3A_320 = %parallel_loop3A_202#5, %parallel_loop3A_321 = %parallel_loop3A_202#6, %parallel_loop3A_322 = %parallel_loop3A_202#7) -> (vector<16xf32>, vector<16xf32>, vector<16xf32>, vector<16xf32>, vector<16xf32>, vector<16xf32>, vector<16xf32>, vector<16xf32>)  : i32 {
      %parallel_loop3A_323 = arith.index_cast %parallel_loop3A_314 : i32 to index
      %parallel_loop3A_324 = arith.constant 0 : index
      %parallel_loop3A_325 = tpu.vector_load %arg5[%parallel_loop3A_323, %parallel_loop3A_324] {strides = array<i32>} : memref<375x128xf32, #tpu.memory_space<vmem>>, vector<1x16xf32>,
      %parallel_loop3A_326 = vector.shape_cast %parallel_loop3A_325 : vector<1x16xf32> to vector<16xf32>
      %parallel_loop3A_327 = arith.addf %parallel_loop3A_315, %parallel_loop3A_326 : vector<16xf32>
      %parallel_loop3A_328 = arith.index_cast %parallel_loop3A_314 : i32 to index
      %parallel_loop3A_329 = arith.constant 16 : index
      %parallel_loop3A_330 = tpu.vector_load %arg5[%parallel_loop3A_328, %parallel_loop3A_329] {strides = array<i32>} : memref<375x128xf32, #tpu.memory_space<vmem>>, vector<1x16xf32>,
      %parallel_loop3A_331 = vector.shape_cast %parallel_loop3A_330 : vector<1x16xf32> to vector<16xf32>
      %parallel_loop3A_332 = arith.addf %parallel_loop3A_316, %parallel_loop3A_331 : vector<16xf32>
      %parallel_loop3A_333 = arith.index_cast %parallel_loop3A_314 : i32 to index
      %parallel_loop3A_334 = arith.constant 32 : index
      %parallel_loop3A_335 = tpu.vector_load %arg5[%parallel_loop3A_333, %parallel_loop3A_334] {strides = array<i32>} : memref<375x128xf32, #tpu.memory_space<vmem>>, vector<1x16xf32>,
      %parallel_loop3A_336 = vector.shape_cast %parallel_loop3A_335 : vector<1x16xf32> to vector<16xf32>
      %parallel_loop3A_337 = arith.addf %parallel_loop3A_317, %parallel_loop3A_336 : vector<16xf32>
      %parallel_loop3A_338 = arith.index_cast %parallel_loop3A_314 : i32 to index
      %parallel_loop3A_339 = arith.constant 48 : index
      %parallel_loop3A_340 = tpu.vector_load %arg5[%parallel_loop3A_338, %parallel_loop3A_339] {strides = array<i32>} : memref<375x128xf32, #tpu.memory_space<vmem>>, vector<1x16xf32>,
      %parallel_loop3A_341 = vector.shape_cast %parallel_loop3A_340 : vector<1x16xf32> to vector<16xf32>
      %parallel_loop3A_342 = arith.addf %parallel_loop3A_318, %parallel_loop3A_341 : vector<16xf32>
      %parallel_loop3A_343 = arith.index_cast %parallel_loop3A_314 : i32 to index
      %parallel_loop3A_344 = arith.constant 64 : index
      %parallel_loop3A_345 = tpu.vector_load %arg5[%parallel_loop3A_343, %parallel_loop3A_344] {strides = array<i32>} : memref<375x128xf32, #tpu.memory_space<vmem>>, vector<1x16xf32>,
      %parallel_loop3A_346 = vector.shape_cast %parallel_loop3A_345 : vector<1x16xf32> to vector<16xf32>
      %parallel_loop3A_347 = arith.addf %parallel_loop3A_319, %parallel_loop3A_346 : vector<16xf32>
      %parallel_loop3A_348 = arith.index_cast %parallel_loop3A_314 : i32 to index
      %parallel_loop3A_349 = arith.constant 80 : index
      %parallel_loop3A_350 = tpu.vector_load %arg5[%parallel_loop3A_348, %parallel_loop3A_349] {strides = array<i32>} : memref<375x128xf32, #tpu.memory_space<vmem>>, vector<1x16xf32>,
      %parallel_loop3A_351 = vector.shape_cast %parallel_loop3A_350 : vector<1x16xf32> to vector<16xf32>
      %parallel_loop3A_352 = arith.addf %parallel_loop3A_320, %parallel_loop3A_351 : vector<16xf32>
      %parallel_loop3A_353 = arith.index_cast %parallel_loop3A_314 : i32 to index
      %parallel_loop3A_354 = arith.constant 96 : index
      %parallel_loop3A_355 = tpu.vector_load %arg5[%parallel_loop3A_353, %parallel_loop3A_354] {strides = array<i32>} : memref<375x128xf32, #tpu.memory_space<vmem>>, vector<1x16xf32>,
      %parallel_loop3A_356 = vector.shape_cast %parallel_loop3A_355 : vector<1x16xf32> to vector<16xf32>
      %parallel_loop3A_357 = arith.addf %parallel_loop3A_321, %parallel_loop3A_356 : vector<16xf32>
      %parallel_loop3A_358 = arith.index_cast %parallel_loop3A_314 : i32 to index
      %parallel_loop3A_359 = arith.constant 112 : index
      %parallel_loop3A_360 = tpu.vector_load %arg5[%parallel_loop3A_358, %parallel_loop3A_359] {strides = array<i32>} : memref<375x128xf32, #tpu.memory_space<vmem>>, vector<1x16xf32>,
      %parallel_loop3A_361 = vector.shape_cast %parallel_loop3A_360 : vector<1x16xf32> to vector<16xf32>
      %parallel_loop3A_362 = arith.addf %parallel_loop3A_322, %parallel_loop3A_361 : vector<16xf32>
      scf.yield %parallel_loop3A_327, %parallel_loop3A_332, %parallel_loop3A_337, %parallel_loop3A_342, %parallel_loop3A_347, %parallel_loop3A_352, %parallel_loop3A_357, %parallel_loop3A_362 : vector<16xf32>, vector<16xf32>, vector<16xf32>, vector<16xf32>, vector<16xf32>, vector<16xf32>, vector<16xf32>, vector<16xf32>
    } {sc.loop_unroll_factor = 8 : i64, sc.parallel_access}
    %add3A_217 = arith.constant 5625 : i32
    %add3A_218 = arith.addi %add3A_4, %add3A_217 : i32
    %dma_start3A_219 = arith.constant 0 : i32
    %dma_start3A_220 = tpu.memref_slice %arg2[%add3A_218, %dma_start3A_219] : memref<320000x128xf32, #tpu.memory_space<hbm>> -> memref<375x128xf32, #tpu.memory_space<hbm>>
    %dma_start3A_221 = arith.constant 0 : i32
    %dma_start3A_222 = tpu.memref_slice %arg2[%add3A_218, %dma_start3A_221] : memref<320000x128xf32, #tpu.memory_space<hbm>> -> memref<375x128xf32, #tpu.memory_space<hbm>>
    tpu.enqueue_dma source(%dma_start3A_222 : memref<375x128xf32, #tpu.memory_space<hbm>>) target(%arg5 : memref<375x128xf32, #tpu.memory_space<vmem>>) target_semaphore(%arg8 : memref<!tpu.dma_semaphore, #tpu.memory_space<semaphore_mem>>)
    %dma_wait3A_223 = arith.constant 0 : i32
    %dma_wait3A_224 = tpu.memref_slice %arg2[%add3A_204, %dma_wait3A_223] : memref<320000x128xf32, #tpu.memory_space<hbm>> -> memref<375x128xf32, #tpu.memory_space<hbm>>
    %dma_wait3A_225 = arith.constant 0 : i32
    %dma_wait3A_226 = tpu.memref_slice %arg2[%add3A_204, %dma_wait3A_225] : memref<320000x128xf32, #tpu.memory_space<hbm>> -> memref<375x128xf32, #tpu.memory_space<hbm>>
    tpu.wait_dma2 semaphore(%arg7 : memref<!tpu.dma_semaphore, #tpu.memory_space<semaphore_mem>>) src(%dma_wait3A_226 : memref<375x128xf32, #tpu.memory_space<hbm>>) dst(%arg4 : memref<375x128xf32, #tpu.memory_space<vmem>>)
    %parallel_loop3A_227 = arith.constant 0 : i32
    %parallel_loop3A_228 = arith.constant 375 : i32
    %parallel_loop3A_229 = arith.constant 1 : i32
    %parallel_loop3A_230:8 = scf.for %parallel_loop3A_314 = %parallel_loop3A_227 to %parallel_loop3A_228 step %parallel_loop3A_229 iter_args(%parallel_loop3A_315 = %parallel_loop3A_216#0, %parallel_loop3A_316 = %parallel_loop3A_216#1, %parallel_loop3A_317 = %parallel_loop3A_216#2, %parallel_loop3A_318 = %parallel_loop3A_216#3, %parallel_loop3A_319 = %parallel_loop3A_216#4, %parallel_loop3A_320 = %parallel_loop3A_216#5, %parallel_loop3A_321 = %parallel_loop3A_216#6, %parallel_loop3A_322 = %parallel_loop3A_216#7) -> (vector<16xf32>, vector<16xf32>, vector<16xf32>, vector<16xf32>, vector<16xf32>, vector<16xf32>, vector<16xf32>, vector<16xf32>)  : i32 {
      %parallel_loop3A_323 = arith.index_cast %parallel_loop3A_314 : i32 to index
      %parallel_loop3A_324 = arith.constant 0 : index
      %parallel_loop3A_325 = tpu.vector_load %arg4[%parallel_loop3A_323, %parallel_loop3A_324] {strides = array<i32>} : memref<375x128xf32, #tpu.memory_space<vmem>>, vector<1x16xf32>,
      %parallel_loop3A_326 = vector.shape_cast %parallel_loop3A_325 : vector<1x16xf32> to vector<16xf32>
      %parallel_loop3A_327 = arith.addf %parallel_loop3A_315, %parallel_loop3A_326 : vector<16xf32>
      %parallel_loop3A_328 = arith.index_cast %parallel_loop3A_314 : i32 to index
      %parallel_loop3A_329 = arith.constant 16 : index
      %parallel_loop3A_330 = tpu.vector_load %arg4[%parallel_loop3A_328, %parallel_loop3A_329] {strides = array<i32>} : memref<375x128xf32, #tpu.memory_space<vmem>>, vector<1x16xf32>,
      %parallel_loop3A_331 = vector.shape_cast %parallel_loop3A_330 : vector<1x16xf32> to vector<16xf32>
      %parallel_loop3A_332 = arith.addf %parallel_loop3A_316, %parallel_loop3A_331 : vector<16xf32>
      %parallel_loop3A_333 = arith.index_cast %parallel_loop3A_314 : i32 to index
      %parallel_loop3A_334 = arith.constant 32 : index
      %parallel_loop3A_335 = tpu.vector_load %arg4[%parallel_loop3A_333, %parallel_loop3A_334] {strides = array<i32>} : memref<375x128xf32, #tpu.memory_space<vmem>>, vector<1x16xf32>,
      %parallel_loop3A_336 = vector.shape_cast %parallel_loop3A_335 : vector<1x16xf32> to vector<16xf32>
      %parallel_loop3A_337 = arith.addf %parallel_loop3A_317, %parallel_loop3A_336 : vector<16xf32>
      %parallel_loop3A_338 = arith.index_cast %parallel_loop3A_314 : i32 to index
      %parallel_loop3A_339 = arith.constant 48 : index
      %parallel_loop3A_340 = tpu.vector_load %arg4[%parallel_loop3A_338, %parallel_loop3A_339] {strides = array<i32>} : memref<375x128xf32, #tpu.memory_space<vmem>>, vector<1x16xf32>,
      %parallel_loop3A_341 = vector.shape_cast %parallel_loop3A_340 : vector<1x16xf32> to vector<16xf32>
      %parallel_loop3A_342 = arith.addf %parallel_loop3A_318, %parallel_loop3A_341 : vector<16xf32>
      %parallel_loop3A_343 = arith.index_cast %parallel_loop3A_314 : i32 to index
      %parallel_loop3A_344 = arith.constant 64 : index
      %parallel_loop3A_345 = tpu.vector_load %arg4[%parallel_loop3A_343, %parallel_loop3A_344] {strides = array<i32>} : memref<375x128xf32, #tpu.memory_space<vmem>>, vector<1x16xf32>,
      %parallel_loop3A_346 = vector.shape_cast %parallel_loop3A_345 : vector<1x16xf32> to vector<16xf32>
      %parallel_loop3A_347 = arith.addf %parallel_loop3A_319, %parallel_loop3A_346 : vector<16xf32>
      %parallel_loop3A_348 = arith.index_cast %parallel_loop3A_314 : i32 to index
      %parallel_loop3A_349 = arith.constant 80 : index
      %parallel_loop3A_350 = tpu.vector_load %arg4[%parallel_loop3A_348, %parallel_loop3A_349] {strides = array<i32>} : memref<375x128xf32, #tpu.memory_space<vmem>>, vector<1x16xf32>,
      %parallel_loop3A_351 = vector.shape_cast %parallel_loop3A_350 : vector<1x16xf32> to vector<16xf32>
      %parallel_loop3A_352 = arith.addf %parallel_loop3A_320, %parallel_loop3A_351 : vector<16xf32>
      %parallel_loop3A_353 = arith.index_cast %parallel_loop3A_314 : i32 to index
      %parallel_loop3A_354 = arith.constant 96 : index
      %parallel_loop3A_355 = tpu.vector_load %arg4[%parallel_loop3A_353, %parallel_loop3A_354] {strides = array<i32>} : memref<375x128xf32, #tpu.memory_space<vmem>>, vector<1x16xf32>,
      %parallel_loop3A_356 = vector.shape_cast %parallel_loop3A_355 : vector<1x16xf32> to vector<16xf32>
      %parallel_loop3A_357 = arith.addf %parallel_loop3A_321, %parallel_loop3A_356 : vector<16xf32>
      %parallel_loop3A_358 = arith.index_cast %parallel_loop3A_314 : i32 to index
      %parallel_loop3A_359 = arith.constant 112 : index
      %parallel_loop3A_360 = tpu.vector_load %arg4[%parallel_loop3A_358, %parallel_loop3A_359] {strides = array<i32>} : memref<375x128xf32, #tpu.memory_space<vmem>>, vector<1x16xf32>,
      %parallel_loop3A_361 = vector.shape_cast %parallel_loop3A_360 : vector<1x16xf32> to vector<16xf32>
      %parallel_loop3A_362 = arith.addf %parallel_loop3A_322, %parallel_loop3A_361 : vector<16xf32>
      scf.yield %parallel_loop3A_327, %parallel_loop3A_332, %parallel_loop3A_337, %parallel_loop3A_342, %parallel_loop3A_347, %parallel_loop3A_352, %parallel_loop3A_357, %parallel_loop3A_362 : vector<16xf32>, vector<16xf32>, vector<16xf32>, vector<16xf32>, vector<16xf32>, vector<16xf32>, vector<16xf32>, vector<16xf32>
    } {sc.loop_unroll_factor = 8 : i64, sc.parallel_access}
    %add3A_231 = arith.constant 6000 : i32
    %add3A_232 = arith.addi %add3A_4, %add3A_231 : i32
    %dma_start3A_233 = arith.constant 0 : i32
    %dma_start3A_234 = tpu.memref_slice %arg2[%add3A_232, %dma_start3A_233] : memref<320000x128xf32, #tpu.memory_space<hbm>> -> memref<375x128xf32, #tpu.memory_space<hbm>>
    %dma_start3A_235 = arith.constant 0 : i32
    %dma_start3A_236 = tpu.memref_slice %arg2[%add3A_232, %dma_start3A_235] : memref<320000x128xf32, #tpu.memory_space<hbm>> -> memref<375x128xf32, #tpu.memory_space<hbm>>
    tpu.enqueue_dma source(%dma_start3A_236 : memref<375x128xf32, #tpu.memory_space<hbm>>) target(%arg4 : memref<375x128xf32, #tpu.memory_space<vmem>>) target_semaphore(%arg7 : memref<!tpu.dma_semaphore, #tpu.memory_space<semaphore_mem>>)
    %dma_wait3A_237 = arith.constant 0 : i32
    %dma_wait3A_238 = tpu.memref_slice %arg2[%add3A_218, %dma_wait3A_237] : memref<320000x128xf32, #tpu.memory_space<hbm>> -> memref<375x128xf32, #tpu.memory_space<hbm>>
    %dma_wait3A_239 = arith.constant 0 : i32
    %dma_wait3A_240 = tpu.memref_slice %arg2[%add3A_218, %dma_wait3A_239] : memref<320000x128xf32, #tpu.memory_space<hbm>> -> memref<375x128xf32, #tpu.memory_space<hbm>>
    tpu.wait_dma2 semaphore(%arg8 : memref<!tpu.dma_semaphore, #tpu.memory_space<semaphore_mem>>) src(%dma_wait3A_240 : memref<375x128xf32, #tpu.memory_space<hbm>>) dst(%arg5 : memref<375x128xf32, #tpu.memory_space<vmem>>)
    %parallel_loop3A_241 = arith.constant 0 : i32
    %parallel_loop3A_242 = arith.constant 375 : i32
    %parallel_loop3A_243 = arith.constant 1 : i32
    %parallel_loop3A_244:8 = scf.for %parallel_loop3A_314 = %parallel_loop3A_241 to %parallel_loop3A_242 step %parallel_loop3A_243 iter_args(%parallel_loop3A_315 = %parallel_loop3A_230#0, %parallel_loop3A_316 = %parallel_loop3A_230#1, %parallel_loop3A_317 = %parallel_loop3A_230#2, %parallel_loop3A_318 = %parallel_loop3A_230#3, %parallel_loop3A_319 = %parallel_loop3A_230#4, %parallel_loop3A_320 = %parallel_loop3A_230#5, %parallel_loop3A_321 = %parallel_loop3A_230#6, %parallel_loop3A_322 = %parallel_loop3A_230#7) -> (vector<16xf32>, vector<16xf32>, vector<16xf32>, vector<16xf32>, vector<16xf32>, vector<16xf32>, vector<16xf32>, vector<16xf32>)  : i32 {
      %parallel_loop3A_323 = arith.index_cast %parallel_loop3A_314 : i32 to index
      %parallel_loop3A_324 = arith.constant 0 : index
      %parallel_loop3A_325 = tpu.vector_load %arg5[%parallel_loop3A_323, %parallel_loop3A_324] {strides = array<i32>} : memref<375x128xf32, #tpu.memory_space<vmem>>, vector<1x16xf32>,
      %parallel_loop3A_326 = vector.shape_cast %parallel_loop3A_325 : vector<1x16xf32> to vector<16xf32>
      %parallel_loop3A_327 = arith.addf %parallel_loop3A_315, %parallel_loop3A_326 : vector<16xf32>
      %parallel_loop3A_328 = arith.index_cast %parallel_loop3A_314 : i32 to index
      %parallel_loop3A_329 = arith.constant 16 : index
      %parallel_loop3A_330 = tpu.vector_load %arg5[%parallel_loop3A_328, %parallel_loop3A_329] {strides = array<i32>} : memref<375x128xf32, #tpu.memory_space<vmem>>, vector<1x16xf32>,
      %parallel_loop3A_331 = vector.shape_cast %parallel_loop3A_330 : vector<1x16xf32> to vector<16xf32>
      %parallel_loop3A_332 = arith.addf %parallel_loop3A_316, %parallel_loop3A_331 : vector<16xf32>
      %parallel_loop3A_333 = arith.index_cast %parallel_loop3A_314 : i32 to index
      %parallel_loop3A_334 = arith.constant 32 : index
      %parallel_loop3A_335 = tpu.vector_load %arg5[%parallel_loop3A_333, %parallel_loop3A_334] {strides = array<i32>} : memref<375x128xf32, #tpu.memory_space<vmem>>, vector<1x16xf32>,
      %parallel_loop3A_336 = vector.shape_cast %parallel_loop3A_335 : vector<1x16xf32> to vector<16xf32>
      %parallel_loop3A_337 = arith.addf %parallel_loop3A_317, %parallel_loop3A_336 : vector<16xf32>
      %parallel_loop3A_338 = arith.index_cast %parallel_loop3A_314 : i32 to index
      %parallel_loop3A_339 = arith.constant 48 : index
      %parallel_loop3A_340 = tpu.vector_load %arg5[%parallel_loop3A_338, %parallel_loop3A_339] {strides = array<i32>} : memref<375x128xf32, #tpu.memory_space<vmem>>, vector<1x16xf32>,
      %parallel_loop3A_341 = vector.shape_cast %parallel_loop3A_340 : vector<1x16xf32> to vector<16xf32>
      %parallel_loop3A_342 = arith.addf %parallel_loop3A_318, %parallel_loop3A_341 : vector<16xf32>
      %parallel_loop3A_343 = arith.index_cast %parallel_loop3A_314 : i32 to index
      %parallel_loop3A_344 = arith.constant 64 : index
      %parallel_loop3A_345 = tpu.vector_load %arg5[%parallel_loop3A_343, %parallel_loop3A_344] {strides = array<i32>} : memref<375x128xf32, #tpu.memory_space<vmem>>, vector<1x16xf32>,
      %parallel_loop3A_346 = vector.shape_cast %parallel_loop3A_345 : vector<1x16xf32> to vector<16xf32>
      %parallel_loop3A_347 = arith.addf %parallel_loop3A_319, %parallel_loop3A_346 : vector<16xf32>
      %parallel_loop3A_348 = arith.index_cast %parallel_loop3A_314 : i32 to index
      %parallel_loop3A_349 = arith.constant 80 : index
      %parallel_loop3A_350 = tpu.vector_load %arg5[%parallel_loop3A_348, %parallel_loop3A_349] {strides = array<i32>} : memref<375x128xf32, #tpu.memory_space<vmem>>, vector<1x16xf32>,
      %parallel_loop3A_351 = vector.shape_cast %parallel_loop3A_350 : vector<1x16xf32> to vector<16xf32>
      %parallel_loop3A_352 = arith.addf %parallel_loop3A_320, %parallel_loop3A_351 : vector<16xf32>
      %parallel_loop3A_353 = arith.index_cast %parallel_loop3A_314 : i32 to index
      %parallel_loop3A_354 = arith.constant 96 : index
      %parallel_loop3A_355 = tpu.vector_load %arg5[%parallel_loop3A_353, %parallel_loop3A_354] {strides = array<i32>} : memref<375x128xf32, #tpu.memory_space<vmem>>, vector<1x16xf32>,
      %parallel_loop3A_356 = vector.shape_cast %parallel_loop3A_355 : vector<1x16xf32> to vector<16xf32>
      %parallel_loop3A_357 = arith.addf %parallel_loop3A_321, %parallel_loop3A_356 : vector<16xf32>
      %parallel_loop3A_358 = arith.index_cast %parallel_loop3A_314 : i32 to index
      %parallel_loop3A_359 = arith.constant 112 : index
      %parallel_loop3A_360 = tpu.vector_load %arg5[%parallel_loop3A_358, %parallel_loop3A_359] {strides = array<i32>} : memref<375x128xf32, #tpu.memory_space<vmem>>, vector<1x16xf32>,
      %parallel_loop3A_361 = vector.shape_cast %parallel_loop3A_360 : vector<1x16xf32> to vector<16xf32>
      %parallel_loop3A_362 = arith.addf %parallel_loop3A_322, %parallel_loop3A_361 : vector<16xf32>
      scf.yield %parallel_loop3A_327, %parallel_loop3A_332, %parallel_loop3A_337, %parallel_loop3A_342, %parallel_loop3A_347, %parallel_loop3A_352, %parallel_loop3A_357, %parallel_loop3A_362 : vector<16xf32>, vector<16xf32>, vector<16xf32>, vector<16xf32>, vector<16xf32>, vector<16xf32>, vector<16xf32>, vector<16xf32>
    } {sc.loop_unroll_factor = 8 : i64, sc.parallel_access}
    %add3A_245 = arith.constant 6375 : i32
    %add3A_246 = arith.addi %add3A_4, %add3A_245 : i32
    %dma_start3A_247 = arith.constant 0 : i32
    %dma_start3A_248 = tpu.memref_slice %arg2[%add3A_246, %dma_start3A_247] : memref<320000x128xf32, #tpu.memory_space<hbm>> -> memref<375x128xf32, #tpu.memory_space<hbm>>
    %dma_start3A_249 = arith.constant 0 : i32
    %dma_start3A_250 = tpu.memref_slice %arg2[%add3A_246, %dma_start3A_249] : memref<320000x128xf32, #tpu.memory_space<hbm>> -> memref<375x128xf32, #tpu.memory_space<hbm>>
    tpu.enqueue_dma source(%dma_start3A_250 : memref<375x128xf32, #tpu.memory_space<hbm>>) target(%arg5 : memref<375x128xf32, #tpu.memory_space<vmem>>) target_semaphore(%arg8 : memref<!tpu.dma_semaphore, #tpu.memory_space<semaphore_mem>>)
    %dma_wait3A_251 = arith.constant 0 : i32
    %dma_wait3A_252 = tpu.memref_slice %arg2[%add3A_232, %dma_wait3A_251] : memref<320000x128xf32, #tpu.memory_space<hbm>> -> memref<375x128xf32, #tpu.memory_space<hbm>>
    %dma_wait3A_253 = arith.constant 0 : i32
    %dma_wait3A_254 = tpu.memref_slice %arg2[%add3A_232, %dma_wait3A_253] : memref<320000x128xf32, #tpu.memory_space<hbm>> -> memref<375x128xf32, #tpu.memory_space<hbm>>
    tpu.wait_dma2 semaphore(%arg7 : memref<!tpu.dma_semaphore, #tpu.memory_space<semaphore_mem>>) src(%dma_wait3A_254 : memref<375x128xf32, #tpu.memory_space<hbm>>) dst(%arg4 : memref<375x128xf32, #tpu.memory_space<vmem>>)
    %parallel_loop3A_255 = arith.constant 0 : i32
    %parallel_loop3A_256 = arith.constant 375 : i32
    %parallel_loop3A_257 = arith.constant 1 : i32
    %parallel_loop3A_258:8 = scf.for %parallel_loop3A_314 = %parallel_loop3A_255 to %parallel_loop3A_256 step %parallel_loop3A_257 iter_args(%parallel_loop3A_315 = %parallel_loop3A_244#0, %parallel_loop3A_316 = %parallel_loop3A_244#1, %parallel_loop3A_317 = %parallel_loop3A_244#2, %parallel_loop3A_318 = %parallel_loop3A_244#3, %parallel_loop3A_319 = %parallel_loop3A_244#4, %parallel_loop3A_320 = %parallel_loop3A_244#5, %parallel_loop3A_321 = %parallel_loop3A_244#6, %parallel_loop3A_322 = %parallel_loop3A_244#7) -> (vector<16xf32>, vector<16xf32>, vector<16xf32>, vector<16xf32>, vector<16xf32>, vector<16xf32>, vector<16xf32>, vector<16xf32>)  : i32 {
      %parallel_loop3A_323 = arith.index_cast %parallel_loop3A_314 : i32 to index
      %parallel_loop3A_324 = arith.constant 0 : index
      %parallel_loop3A_325 = tpu.vector_load %arg4[%parallel_loop3A_323, %parallel_loop3A_324] {strides = array<i32>} : memref<375x128xf32, #tpu.memory_space<vmem>>, vector<1x16xf32>,
      %parallel_loop3A_326 = vector.shape_cast %parallel_loop3A_325 : vector<1x16xf32> to vector<16xf32>
      %parallel_loop3A_327 = arith.addf %parallel_loop3A_315, %parallel_loop3A_326 : vector<16xf32>
      %parallel_loop3A_328 = arith.index_cast %parallel_loop3A_314 : i32 to index
      %parallel_loop3A_329 = arith.constant 16 : index
      %parallel_loop3A_330 = tpu.vector_load %arg4[%parallel_loop3A_328, %parallel_loop3A_329] {strides = array<i32>} : memref<375x128xf32, #tpu.memory_space<vmem>>, vector<1x16xf32>,
      %parallel_loop3A_331 = vector.shape_cast %parallel_loop3A_330 : vector<1x16xf32> to vector<16xf32>
      %parallel_loop3A_332 = arith.addf %parallel_loop3A_316, %parallel_loop3A_331 : vector<16xf32>
      %parallel_loop3A_333 = arith.index_cast %parallel_loop3A_314 : i32 to index
      %parallel_loop3A_334 = arith.constant 32 : index
      %parallel_loop3A_335 = tpu.vector_load %arg4[%parallel_loop3A_333, %parallel_loop3A_334] {strides = array<i32>} : memref<375x128xf32, #tpu.memory_space<vmem>>, vector<1x16xf32>,
      %parallel_loop3A_336 = vector.shape_cast %parallel_loop3A_335 : vector<1x16xf32> to vector<16xf32>
      %parallel_loop3A_337 = arith.addf %parallel_loop3A_317, %parallel_loop3A_336 : vector<16xf32>
      %parallel_loop3A_338 = arith.index_cast %parallel_loop3A_314 : i32 to index
      %parallel_loop3A_339 = arith.constant 48 : index
      %parallel_loop3A_340 = tpu.vector_load %arg4[%parallel_loop3A_338, %parallel_loop3A_339] {strides = array<i32>} : memref<375x128xf32, #tpu.memory_space<vmem>>, vector<1x16xf32>,
      %parallel_loop3A_341 = vector.shape_cast %parallel_loop3A_340 : vector<1x16xf32> to vector<16xf32>
      %parallel_loop3A_342 = arith.addf %parallel_loop3A_318, %parallel_loop3A_341 : vector<16xf32>
      %parallel_loop3A_343 = arith.index_cast %parallel_loop3A_314 : i32 to index
      %parallel_loop3A_344 = arith.constant 64 : index
      %parallel_loop3A_345 = tpu.vector_load %arg4[%parallel_loop3A_343, %parallel_loop3A_344] {strides = array<i32>} : memref<375x128xf32, #tpu.memory_space<vmem>>, vector<1x16xf32>,
      %parallel_loop3A_346 = vector.shape_cast %parallel_loop3A_345 : vector<1x16xf32> to vector<16xf32>
      %parallel_loop3A_347 = arith.addf %parallel_loop3A_319, %parallel_loop3A_346 : vector<16xf32>
      %parallel_loop3A_348 = arith.index_cast %parallel_loop3A_314 : i32 to index
      %parallel_loop3A_349 = arith.constant 80 : index
      %parallel_loop3A_350 = tpu.vector_load %arg4[%parallel_loop3A_348, %parallel_loop3A_349] {strides = array<i32>} : memref<375x128xf32, #tpu.memory_space<vmem>>, vector<1x16xf32>,
      %parallel_loop3A_351 = vector.shape_cast %parallel_loop3A_350 : vector<1x16xf32> to vector<16xf32>
      %parallel_loop3A_352 = arith.addf %parallel_loop3A_320, %parallel_loop3A_351 : vector<16xf32>
      %parallel_loop3A_353 = arith.index_cast %parallel_loop3A_314 : i32 to index
      %parallel_loop3A_354 = arith.constant 96 : index
      %parallel_loop3A_355 = tpu.vector_load %arg4[%parallel_loop3A_353, %parallel_loop3A_354] {strides = array<i32>} : memref<375x128xf32, #tpu.memory_space<vmem>>, vector<1x16xf32>,
      %parallel_loop3A_356 = vector.shape_cast %parallel_loop3A_355 : vector<1x16xf32> to vector<16xf32>
      %parallel_loop3A_357 = arith.addf %parallel_loop3A_321, %parallel_loop3A_356 : vector<16xf32>
      %parallel_loop3A_358 = arith.index_cast %parallel_loop3A_314 : i32 to index
      %parallel_loop3A_359 = arith.constant 112 : index
      %parallel_loop3A_360 = tpu.vector_load %arg4[%parallel_loop3A_358, %parallel_loop3A_359] {strides = array<i32>} : memref<375x128xf32, #tpu.memory_space<vmem>>, vector<1x16xf32>,
      %parallel_loop3A_361 = vector.shape_cast %parallel_loop3A_360 : vector<1x16xf32> to vector<16xf32>
      %parallel_loop3A_362 = arith.addf %parallel_loop3A_322, %parallel_loop3A_361 : vector<16xf32>
      scf.yield %parallel_loop3A_327, %parallel_loop3A_332, %parallel_loop3A_337, %parallel_loop3A_342, %parallel_loop3A_347, %parallel_loop3A_352, %parallel_loop3A_357, %parallel_loop3A_362 : vector<16xf32>, vector<16xf32>, vector<16xf32>, vector<16xf32>, vector<16xf32>, vector<16xf32>, vector<16xf32>, vector<16xf32>
    } {sc.loop_unroll_factor = 8 : i64, sc.parallel_access}
    %dma_wait3A_259 = arith.constant 0 : i32
    %dma_wait3A_260 = tpu.memref_slice %arg2[%add3A_246, %dma_wait3A_259] : memref<320000x128xf32, #tpu.memory_space<hbm>> -> memref<375x128xf32, #tpu.memory_space<hbm>>
    %dma_wait3A_261 = arith.constant 0 : i32
    %dma_wait3A_262 = tpu.memref_slice %arg2[%add3A_246, %dma_wait3A_261] : memref<320000x128xf32, #tpu.memory_space<hbm>> -> memref<375x128xf32, #tpu.memory_space<hbm>>
    tpu.wait_dma2 semaphore(%arg8 : memref<!tpu.dma_semaphore, #tpu.memory_space<semaphore_mem>>) src(%dma_wait3A_262 : memref<375x128xf32, #tpu.memory_space<hbm>>) dst(%arg5 : memref<375x128xf32, #tpu.memory_space<vmem>>)
    %parallel_loop3A_263 = arith.constant 0 : i32
    %parallel_loop3A_264 = arith.constant 375 : i32
    %parallel_loop3A_265 = arith.constant 1 : i32
    %parallel_loop3A_266:8 = scf.for %parallel_loop3A_314 = %parallel_loop3A_263 to %parallel_loop3A_264 step %parallel_loop3A_265 iter_args(%parallel_loop3A_315 = %parallel_loop3A_258#0, %parallel_loop3A_316 = %parallel_loop3A_258#1, %parallel_loop3A_317 = %parallel_loop3A_258#2, %parallel_loop3A_318 = %parallel_loop3A_258#3, %parallel_loop3A_319 = %parallel_loop3A_258#4, %parallel_loop3A_320 = %parallel_loop3A_258#5, %parallel_loop3A_321 = %parallel_loop3A_258#6, %parallel_loop3A_322 = %parallel_loop3A_258#7) -> (vector<16xf32>, vector<16xf32>, vector<16xf32>, vector<16xf32>, vector<16xf32>, vector<16xf32>, vector<16xf32>, vector<16xf32>)  : i32 {
      %parallel_loop3A_323 = arith.index_cast %parallel_loop3A_314 : i32 to index
      %parallel_loop3A_324 = arith.constant 0 : index
      %parallel_loop3A_325 = tpu.vector_load %arg5[%parallel_loop3A_323, %parallel_loop3A_324] {strides = array<i32>} : memref<375x128xf32, #tpu.memory_space<vmem>>, vector<1x16xf32>,
      %parallel_loop3A_326 = vector.shape_cast %parallel_loop3A_325 : vector<1x16xf32> to vector<16xf32>
      %parallel_loop3A_327 = arith.addf %parallel_loop3A_315, %parallel_loop3A_326 : vector<16xf32>
      %parallel_loop3A_328 = arith.index_cast %parallel_loop3A_314 : i32 to index
      %parallel_loop3A_329 = arith.constant 16 : index
      %parallel_loop3A_330 = tpu.vector_load %arg5[%parallel_loop3A_328, %parallel_loop3A_329] {strides = array<i32>} : memref<375x128xf32, #tpu.memory_space<vmem>>, vector<1x16xf32>,
      %parallel_loop3A_331 = vector.shape_cast %parallel_loop3A_330 : vector<1x16xf32> to vector<16xf32>
      %parallel_loop3A_332 = arith.addf %parallel_loop3A_316, %parallel_loop3A_331 : vector<16xf32>
      %parallel_loop3A_333 = arith.index_cast %parallel_loop3A_314 : i32 to index
      %parallel_loop3A_334 = arith.constant 32 : index
      %parallel_loop3A_335 = tpu.vector_load %arg5[%parallel_loop3A_333, %parallel_loop3A_334] {strides = array<i32>} : memref<375x128xf32, #tpu.memory_space<vmem>>, vector<1x16xf32>,
      %parallel_loop3A_336 = vector.shape_cast %parallel_loop3A_335 : vector<1x16xf32> to vector<16xf32>
      %parallel_loop3A_337 = arith.addf %parallel_loop3A_317, %parallel_loop3A_336 : vector<16xf32>
      %parallel_loop3A_338 = arith.index_cast %parallel_loop3A_314 : i32 to index
      %parallel_loop3A_339 = arith.constant 48 : index
      %parallel_loop3A_340 = tpu.vector_load %arg5[%parallel_loop3A_338, %parallel_loop3A_339] {strides = array<i32>} : memref<375x128xf32, #tpu.memory_space<vmem>>, vector<1x16xf32>,
      %parallel_loop3A_341 = vector.shape_cast %parallel_loop3A_340 : vector<1x16xf32> to vector<16xf32>
      %parallel_loop3A_342 = arith.addf %parallel_loop3A_318, %parallel_loop3A_341 : vector<16xf32>
      %parallel_loop3A_343 = arith.index_cast %parallel_loop3A_314 : i32 to index
      %parallel_loop3A_344 = arith.constant 64 : index
      %parallel_loop3A_345 = tpu.vector_load %arg5[%parallel_loop3A_343, %parallel_loop3A_344] {strides = array<i32>} : memref<375x128xf32, #tpu.memory_space<vmem>>, vector<1x16xf32>,
      %parallel_loop3A_346 = vector.shape_cast %parallel_loop3A_345 : vector<1x16xf32> to vector<16xf32>
      %parallel_loop3A_347 = arith.addf %parallel_loop3A_319, %parallel_loop3A_346 : vector<16xf32>
      %parallel_loop3A_348 = arith.index_cast %parallel_loop3A_314 : i32 to index
      %parallel_loop3A_349 = arith.constant 80 : index
      %parallel_loop3A_350 = tpu.vector_load %arg5[%parallel_loop3A_348, %parallel_loop3A_349] {strides = array<i32>} : memref<375x128xf32, #tpu.memory_space<vmem>>, vector<1x16xf32>,
      %parallel_loop3A_351 = vector.shape_cast %parallel_loop3A_350 : vector<1x16xf32> to vector<16xf32>
      %parallel_loop3A_352 = arith.addf %parallel_loop3A_320, %parallel_loop3A_351 : vector<16xf32>
      %parallel_loop3A_353 = arith.index_cast %parallel_loop3A_314 : i32 to index
      %parallel_loop3A_354 = arith.constant 96 : index
      %parallel_loop3A_355 = tpu.vector_load %arg5[%parallel_loop3A_353, %parallel_loop3A_354] {strides = array<i32>} : memref<375x128xf32, #tpu.memory_space<vmem>>, vector<1x16xf32>,
      %parallel_loop3A_356 = vector.shape_cast %parallel_loop3A_355 : vector<1x16xf32> to vector<16xf32>
      %parallel_loop3A_357 = arith.addf %parallel_loop3A_321, %parallel_loop3A_356 : vector<16xf32>
      %parallel_loop3A_358 = arith.index_cast %parallel_loop3A_314 : i32 to index
      %parallel_loop3A_359 = arith.constant 112 : index
      %parallel_loop3A_360 = tpu.vector_load %arg5[%parallel_loop3A_358, %parallel_loop3A_359] {strides = array<i32>} : memref<375x128xf32, #tpu.memory_space<vmem>>, vector<1x16xf32>,
      %parallel_loop3A_361 = vector.shape_cast %parallel_loop3A_360 : vector<1x16xf32> to vector<16xf32>
      %parallel_loop3A_362 = arith.addf %parallel_loop3A_322, %parallel_loop3A_361 : vector<16xf32>
      scf.yield %parallel_loop3A_327, %parallel_loop3A_332, %parallel_loop3A_337, %parallel_loop3A_342, %parallel_loop3A_347, %parallel_loop3A_352, %parallel_loop3A_357, %parallel_loop3A_362 : vector<16xf32>, vector<16xf32>, vector<16xf32>, vector<16xf32>, vector<16xf32>, vector<16xf32>, vector<16xf32>, vector<16xf32>
    } {sc.loop_unroll_factor = 8 : i64, sc.parallel_access}
    %swap3A = arith.constant 0 : i32
    %swap3A_267 = arith.index_cast %swap3A : i32 to index
    %swap3A_268 = arith.constant 0 : index
    %swap3A_269 = tpu.vector_load %arg6[%swap3A_267, %swap3A_268] {strides = array<i32>} : memref<1x128xf32, #tpu.memory_space<vmem>>, vector<1x16xf32>,
    %swap3A_270 = vector.shape_cast %swap3A_269 : vector<1x16xf32> to vector<16xf32>
    %swap3A_271 = vector.shape_cast %parallel_loop3A_266#0 : vector<16xf32> to vector<1x16xf32>
    tpu.vector_store %arg6[%swap3A_267, %swap3A_268], %swap3A_271 {strides = array<i32>} : memref<1x128xf32, #tpu.memory_space<vmem>>, vector<1x16xf32>,
    %swap3A_272 = arith.constant 0 : i32
    %swap3A_273 = arith.index_cast %swap3A_272 : i32 to index
    %swap3A_274 = arith.constant 16 : index
    %swap3A_275 = tpu.vector_load %arg6[%swap3A_273, %swap3A_274] {strides = array<i32>} : memref<1x128xf32, #tpu.memory_space<vmem>>, vector<1x16xf32>,
    %swap3A_276 = vector.shape_cast %swap3A_275 : vector<1x16xf32> to vector<16xf32>
    %swap3A_277 = vector.shape_cast %parallel_loop3A_266#1 : vector<16xf32> to vector<1x16xf32>
    tpu.vector_store %arg6[%swap3A_273, %swap3A_274], %swap3A_277 {strides = array<i32>} : memref<1x128xf32, #tpu.memory_space<vmem>>, vector<1x16xf32>,
    %swap3A_278 = arith.constant 0 : i32
    %swap3A_279 = arith.index_cast %swap3A_278 : i32 to index
    %swap3A_280 = arith.constant 32 : index
    %swap3A_281 = tpu.vector_load %arg6[%swap3A_279, %swap3A_280] {strides = array<i32>} : memref<1x128xf32, #tpu.memory_space<vmem>>, vector<1x16xf32>,
    %swap3A_282 = vector.shape_cast %swap3A_281 : vector<1x16xf32> to vector<16xf32>
    %swap3A_283 = vector.shape_cast %parallel_loop3A_266#2 : vector<16xf32> to vector<1x16xf32>
    tpu.vector_store %arg6[%swap3A_279, %swap3A_280], %swap3A_283 {strides = array<i32>} : memref<1x128xf32, #tpu.memory_space<vmem>>, vector<1x16xf32>,
    %swap3A_284 = arith.constant 0 : i32
    %swap3A_285 = arith.index_cast %swap3A_284 : i32 to index
    %swap3A_286 = arith.constant 48 : index
    %swap3A_287 = tpu.vector_load %arg6[%swap3A_285, %swap3A_286] {strides = array<i32>} : memref<1x128xf32, #tpu.memory_space<vmem>>, vector<1x16xf32>,
    %swap3A_288 = vector.shape_cast %swap3A_287 : vector<1x16xf32> to vector<16xf32>
    %swap3A_289 = vector.shape_cast %parallel_loop3A_266#3 : vector<16xf32> to vector<1x16xf32>
    tpu.vector_store %arg6[%swap3A_285, %swap3A_286], %swap3A_289 {strides = array<i32>} : memref<1x128xf32, #tpu.memory_space<vmem>>, vector<1x16xf32>,
    %swap3A_290 = arith.constant 0 : i32
    %swap3A_291 = arith.index_cast %swap3A_290 : i32 to index
    %swap3A_292 = arith.constant 64 : index
    %swap3A_293 = tpu.vector_load %arg6[%swap3A_291, %swap3A_292] {strides = array<i32>} : memref<1x128xf32, #tpu.memory_space<vmem>>, vector<1x16xf32>,
    %swap3A_294 = vector.shape_cast %swap3A_293 : vector<1x16xf32> to vector<16xf32>
    %swap3A_295 = vector.shape_cast %parallel_loop3A_266#4 : vector<16xf32> to vector<1x16xf32>
    tpu.vector_store %arg6[%swap3A_291, %swap3A_292], %swap3A_295 {strides = array<i32>} : memref<1x128xf32, #tpu.memory_space<vmem>>, vector<1x16xf32>,
    %swap3A_296 = arith.constant 0 : i32
    %swap3A_297 = arith.index_cast %swap3A_296 : i32 to index
    %swap3A_298 = arith.constant 80 : index
    %swap3A_299 = tpu.vector_load %arg6[%swap3A_297, %swap3A_298] {strides = array<i32>} : memref<1x128xf32, #tpu.memory_space<vmem>>, vector<1x16xf32>,
    %swap3A_300 = vector.shape_cast %swap3A_299 : vector<1x16xf32> to vector<16xf32>
    %swap3A_301 = vector.shape_cast %parallel_loop3A_266#5 : vector<16xf32> to vector<1x16xf32>
    tpu.vector_store %arg6[%swap3A_297, %swap3A_298], %swap3A_301 {strides = array<i32>} : memref<1x128xf32, #tpu.memory_space<vmem>>, vector<1x16xf32>,
    %swap3A_302 = arith.constant 0 : i32
    %swap3A_303 = arith.index_cast %swap3A_302 : i32 to index
    %swap3A_304 = arith.constant 96 : index
    %swap3A_305 = tpu.vector_load %arg6[%swap3A_303, %swap3A_304] {strides = array<i32>} : memref<1x128xf32, #tpu.memory_space<vmem>>, vector<1x16xf32>,
    %swap3A_306 = vector.shape_cast %swap3A_305 : vector<1x16xf32> to vector<16xf32>
    %swap3A_307 = vector.shape_cast %parallel_loop3A_266#6 : vector<16xf32> to vector<1x16xf32>
    tpu.vector_store %arg6[%swap3A_303, %swap3A_304], %swap3A_307 {strides = array<i32>} : memref<1x128xf32, #tpu.memory_space<vmem>>, vector<1x16xf32>,
    %swap3A_308 = arith.constant 0 : i32
    %swap3A_309 = arith.index_cast %swap3A_308 : i32 to index
    %swap3A_310 = arith.constant 112 : index
    %swap3A_311 = tpu.vector_load %arg6[%swap3A_309, %swap3A_310] {strides = array<i32>} : memref<1x128xf32, #tpu.memory_space<vmem>>, vector<1x16xf32>,
    %swap3A_312 = vector.shape_cast %swap3A_311 : vector<1x16xf32> to vector<16xf32>
    %swap3A_313 = vector.shape_cast %parallel_loop3A_266#7 : vector<16xf32> to vector<1x16xf32>
    tpu.vector_store %arg6[%swap3A_309, %swap3A_310], %swap3A_313 {strides = array<i32>} : memref<1x128xf32, #tpu.memory_space<vmem>>, vector<1x16xf32>,
    "tpu.region"() ({
      %run_scoped3A = tpu.sem_alloc : memref<!tpu.dma_semaphore, #tpu.memory_space<semaphore_mem>>
      %dma_start3A_314 = arith.constant 0 : i32
      %dma_start3A_315 = tpu.memref_slice %arg3[%add3A, %dma_start3A_314] : memref<32x128xf32, #tpu.memory_space<hbm>> -> memref<1x128xf32, #tpu.memory_space<hbm>>
      %dma_start3A_316 = arith.constant 0 : i32
      %dma_start3A_317 = tpu.memref_slice %arg3[%add3A, %dma_start3A_316] : memref<32x128xf32, #tpu.memory_space<hbm>> -> memref<1x128xf32, #tpu.memory_space<hbm>>
      tpu.enqueue_dma source(%arg6 : memref<1x128xf32, #tpu.memory_space<vmem>>) target(%dma_start3A_317 : memref<1x128xf32, #tpu.memory_space<hbm>>) target_semaphore(%run_scoped3A : memref<!tpu.dma_semaphore, #tpu.memory_space<semaphore_mem>>)
      %dma_wait3A_318 = arith.constant 0 : i32
      %dma_wait3A_319 = tpu.memref_slice %arg3[%add3A, %dma_wait3A_318] : memref<32x128xf32, #tpu.memory_space<hbm>> -> memref<1x128xf32, #tpu.memory_space<hbm>>
      %dma_wait3A_320 = arith.constant 0 : i32
      %dma_wait3A_321 = tpu.memref_slice %arg3[%add3A, %dma_wait3A_320] : memref<32x128xf32, #tpu.memory_space<hbm>> -> memref<1x128xf32, #tpu.memory_space<hbm>>
      tpu.wait_dma2 semaphore(%run_scoped3A : memref<!tpu.dma_semaphore, #tpu.memory_space<semaphore_mem>>) src(%arg6 : memref<1x128xf32, #tpu.memory_space<vmem>>) dst(%dma_wait3A_321 : memref<1x128xf32, #tpu.memory_space<hbm>>)
      tpu.yield
    }) : () -> ()
    return
  }
}

module attributes {stable_mosaic.version = 14 : i64} {
  func.func @_mlp_kernel(%arg0: memref<32x128xf32, #tpu.memory_space<vmem>>, %arg1: memref<8x128xf32, #tpu.memory_space<vmem>>, %arg2: memref<8x64xf32, #tpu.memory_space<vmem>>, %arg3: memref<256x192xf32, #tpu.memory_space<vmem>>, %arg4: memref<1x256xf32, #tpu.memory_space<vmem>>, %arg5: memref<256x256xf32, #tpu.memory_space<vmem>>, %arg6: memref<1x256xf32, #tpu.memory_space<vmem>>, %arg7: memref<128x256xf32, #tpu.memory_space<vmem>>, %arg8: memref<1x128xf32, #tpu.memory_space<vmem>>, %arg9: memref<1x128xf32, #tpu.memory_space<vmem>>) attributes {dimension_semantics = [], scalar_prefetch = 0 : i64, scratch_operands = 0 : i64, tpu.core_type = #tpu.core_type<tc>} {
    %get3A = arith.constant 0 : index
    %get3A_0 = arith.constant 0 : index
    %get3A_1 = vector.load %arg0[%get3A, %get3A_0] : memref<32x128xf32, #tpu.memory_space<vmem>>, vector<32x128xf32>
    %reduce_sum3A = arith.constant dense<0.000000e+00> : vector<128xf32>
    %reduce_sum3A_2 = vector.multi_reduction <add>, %get3A_1, %reduce_sum3A [0] : vector<32x128xf32> to vector<128xf32>
    %broadcast_in_dim3A = vector.shape_cast %reduce_sum3A_2 : vector<128xf32> to vector<1x128xf32>
    %get3A_3 = arith.constant 0 : index
    %get3A_4 = arith.constant 0 : index
    %get3A_5 = vector.load %arg1[%get3A_3, %get3A_4] : memref<8x128xf32, #tpu.memory_space<vmem>>, vector<8x128xf32>
    %reduce_sum3A_6 = arith.constant dense<0.000000e+00> : vector<128xf32>
    %reduce_sum3A_7 = vector.multi_reduction <add>, %get3A_5, %reduce_sum3A_6 [0] : vector<8x128xf32> to vector<128xf32>
    %broadcast_in_dim3A_8 = vector.shape_cast %reduce_sum3A_7 : vector<128xf32> to vector<1x128xf32>
    %add3A = arith.addf %broadcast_in_dim3A, %broadcast_in_dim3A_8 : vector<1x128xf32>
    %mul3A = arith.constant 3.125000e-06 : f32
    %mul3A_9 = vector.broadcast %mul3A : f32 to vector<1x128xf32>
    %mul3A_10 = arith.mulf %add3A, %mul3A_9 : vector<1x128xf32>
    %get3A_11 = arith.constant 0 : index
    %get3A_12 = arith.constant 0 : index
    %get3A_13 = vector.load %arg2[%get3A_11, %get3A_12] : memref<8x64xf32, #tpu.memory_space<vmem>>, vector<8x64xf32>
    %reduce_sum3A_14 = arith.constant dense<0.000000e+00> : vector<64xf32>
    %reduce_sum3A_15 = vector.multi_reduction <add>, %get3A_13, %reduce_sum3A_14 [0] : vector<8x64xf32> to vector<64xf32>
    %broadcast_in_dim3A_16 = vector.shape_cast %reduce_sum3A_15 : vector<64xf32> to vector<1x64xf32>
    %mul3A_17 = arith.constant 1.250000e-01 : f32
    %mul3A_18 = vector.broadcast %mul3A_17 : f32 to vector<1x64xf32>
    %mul3A_19 = arith.mulf %broadcast_in_dim3A_16, %mul3A_18 : vector<1x64xf32>
    %get3A_20 = arith.constant 0 : index
    %get3A_21 = arith.constant 0 : index
    %get3A_22 = vector.load %arg3[%get3A_20, %get3A_21] : memref<256x192xf32, #tpu.memory_space<vmem>>, vector<256x64xf32>
    %dot_general3A = arith.constant dense<0.000000e+00> : vector<1x256xf32>
    %dot_general3A_23 = tpu.matmul %mul3A_19, %get3A_22, %dot_general3A {dimension_numbers = #tpu.dot_dimension_numbers<[1], [1], [0], [0], [0, 0, 1, 0], [], []>, transpose_lhs_hint = false} : vector<1x64xf32>, vector<256x64xf32>, vector<1x256xf32> -> vector<1x256xf32>
    %get3A_24 = arith.constant 0 : index
    %get3A_25 = arith.constant 64 : index
    %get3A_26 = vector.load %arg3[%get3A_24, %get3A_25] : memref<256x192xf32, #tpu.memory_space<vmem>>, vector<256x128xf32>
    %dot_general3A_27 = arith.constant dense<0.000000e+00> : vector<1x256xf32>
    %dot_general3A_28 = tpu.matmul %mul3A_10, %get3A_26, %dot_general3A_27 {dimension_numbers = #tpu.dot_dimension_numbers<[1], [1], [0], [0], [0, 0, 1, 0], [], []>, transpose_lhs_hint = false} : vector<1x128xf32>, vector<256x128xf32>, vector<1x256xf32> -> vector<1x256xf32>
    %add3A_29 = arith.addf %dot_general3A_23, %dot_general3A_28 : vector<1x256xf32>
    %get3A_30 = arith.constant 0 : index
    %get3A_31 = arith.constant 0 : index
    %get3A_32 = vector.load %arg4[%get3A_30, %get3A_31] : memref<1x256xf32, #tpu.memory_space<vmem>>, vector<1x256xf32>
    %add3A_33 = arith.addf %add3A_29, %get3A_32 : vector<1x256xf32>
    %max3A = arith.constant 0.000000e+00 : f32
    %max3A_34 = vector.broadcast %max3A : f32 to vector<1x256xf32>
    %max3A_35 = arith.maximumf %add3A_33, %max3A_34 : vector<1x256xf32>
    %get3A_36 = arith.constant 0 : index
    %get3A_37 = arith.constant 0 : index
    %get3A_38 = vector.load %arg5[%get3A_36, %get3A_37] : memref<256x256xf32, #tpu.memory_space<vmem>>, vector<256x256xf32>
    %dot_general3A_39 = arith.constant dense<0.000000e+00> : vector<1x256xf32>
    %dot_general3A_40 = tpu.matmul %max3A_35, %get3A_38, %dot_general3A_39 {dimension_numbers = #tpu.dot_dimension_numbers<[1], [1], [0], [0], [0, 0, 1, 0], [], []>, transpose_lhs_hint = false} : vector<1x256xf32>, vector<256x256xf32>, vector<1x256xf32> -> vector<1x256xf32>
    %get3A_41 = arith.constant 0 : index
    %get3A_42 = arith.constant 0 : index
    %get3A_43 = vector.load %arg6[%get3A_41, %get3A_42] : memref<1x256xf32, #tpu.memory_space<vmem>>, vector<1x256xf32>
    %add3A_44 = arith.addf %dot_general3A_40, %get3A_43 : vector<1x256xf32>
    %max3A_45 = arith.constant 0.000000e+00 : f32
    %max3A_46 = vector.broadcast %max3A_45 : f32 to vector<1x256xf32>
    %max3A_47 = arith.maximumf %add3A_44, %max3A_46 : vector<1x256xf32>
    %get3A_48 = arith.constant 0 : index
    %get3A_49 = arith.constant 0 : index
    %get3A_50 = vector.load %arg7[%get3A_48, %get3A_49] : memref<128x256xf32, #tpu.memory_space<vmem>>, vector<128x256xf32>
    %dot_general3A_51 = arith.constant dense<0.000000e+00> : vector<1x128xf32>
    %dot_general3A_52 = tpu.matmul %max3A_47, %get3A_50, %dot_general3A_51 {dimension_numbers = #tpu.dot_dimension_numbers<[1], [1], [0], [0], [0, 0, 1, 0], [], []>, transpose_lhs_hint = false} : vector<1x256xf32>, vector<128x256xf32>, vector<1x128xf32> -> vector<1x128xf32>
    %get3A_53 = arith.constant 0 : index
    %get3A_54 = arith.constant 0 : index
    %get3A_55 = vector.load %arg8[%get3A_53, %get3A_54] : memref<1x128xf32, #tpu.memory_space<vmem>>, vector<1x128xf32>
    %add3A_56 = arith.addf %dot_general3A_52, %get3A_55 : vector<1x128xf32>
    %swap3A = arith.constant 0 : index
    %swap3A_57 = arith.constant 0 : index
    %swap3A_58 = vector.load %arg9[%swap3A, %swap3A_57] : memref<1x128xf32, #tpu.memory_space<vmem>>, vector<1x128xf32>
    tpu.vector_store %arg9[%swap3A, %swap3A_57], %add3A_56 {strides = array<i32>} : memref<1x128xf32, #tpu.memory_space<vmem>>, vector<1x128xf32>,
    return
  }
}

module attributes {stable_mosaic.version = 14 : i64} {
  func.func @_tc_colsum_kernel(%arg0: i32, %arg1: memref<2000x128xf32, #tpu.memory_space<vmem>>, %arg2: memref<8x128xf32, #tpu.memory_space<vmem>>) attributes {dimension_semantics = [#tpu.dimension_semantics<arbitrary>], iteration_bounds = array<i64: 52>, scalar_prefetch = 0 : i64, scratch_operands = 0 : i64, tpu.core_type = #tpu.core_type<tc>, window_params = [{transform_indices = @transform_0, window_bounds = array<i64: 2000, 128>}, {pipeline_mode = #tpu.pipeline_mode<synchronous>, transform_indices = @transform_1, window_bounds = array<i64: 8, 128>}]} {
    %eq3A = arith.constant 0 : i32
    %eq3A_0 = arith.cmpi eq, %arg0, %eq3A : i32
    %convert_element_type3A = arith.extui %eq3A_0 : i1 to i32
    %cond3A = arith.constant 0 : i32
    %cond3A_1 = arith.cmpi ne, %convert_element_type3A, %cond3A : i32
    scf.if %cond3A_1 {
      %broadcast_in_dim3A = arith.constant 0.000000e+00 : f32
      %broadcast_in_dim3A_10 = vector.broadcast %broadcast_in_dim3A : f32 to vector<8x128xf32>
      %swap3A_11 = arith.constant 0 : index
      %swap3A_12 = arith.constant 0 : index
      %swap3A_13 = vector.load %arg2[%swap3A_11, %swap3A_12] : memref<8x128xf32, #tpu.memory_space<vmem>>, vector<8x128xf32>
      tpu.vector_store %arg2[%swap3A_11, %swap3A_12], %broadcast_in_dim3A_10 {strides = array<i32>} : memref<8x128xf32, #tpu.memory_space<vmem>>, vector<8x128xf32>,
    } else {
    }
    %get3A = arith.constant 0 : index
    %get3A_2 = arith.constant 0 : index
    %get3A_3 = vector.load %arg2[%get3A, %get3A_2] : memref<8x128xf32, #tpu.memory_space<vmem>>, vector<8x128xf32>
    %get3A_4 = arith.constant 0 : index
    %get3A_5 = arith.constant 0 : index
    %get3A_6 = vector.load %arg1[%get3A_4, %get3A_5] : memref<2000x128xf32, #tpu.memory_space<vmem>>, vector<2000x128xf32>
    %reshape3A = vector.shape_cast %get3A_6 : vector<2000x128xf32> to vector<250x8x128xf32>
    %reduce_sum3A = arith.constant dense<0.000000e+00> : vector<8x128xf32>
    %reduce_sum3A_7 = vector.multi_reduction <add>, %reshape3A, %reduce_sum3A [0] : vector<250x8x128xf32> to vector<8x128xf32>
    %add3A = arith.addf %get3A_3, %reduce_sum3A_7 : vector<8x128xf32>
    %swap3A = arith.constant 0 : index
    %swap3A_8 = arith.constant 0 : index
    %swap3A_9 = vector.load %arg2[%swap3A, %swap3A_8] : memref<8x128xf32, #tpu.memory_space<vmem>>, vector<8x128xf32>
    tpu.vector_store %arg2[%swap3A, %swap3A_8], %add3A {strides = array<i32>} : memref<8x128xf32, #tpu.memory_space<vmem>>, vector<8x128xf32>,
    return
  }
  func.func @transform_0(%arg0: i32) -> (i32, i32) {
    %c0_i32 = arith.constant 0 : i32
    %c0_i32_0 = arith.constant 0 : i32
    return %arg0, %c0_i32 : i32, i32
  }
  func.func @transform_1(%arg0: i32) -> (i32, i32) {
    %c0_i32 = arith.constant 0 : i32
    %c0_i32_0 = arith.constant 0 : i32
    %c0_i32_1 = arith.constant 0 : i32
    return %c0_i32, %c0_i32_0 : i32, i32
  }
}

</mosaic_0001>

<sc_bundles>
// kernel: kernel.5.cloned.1.call-start
scs
__scs_entry_jumppad:
0x0: {  	(pc) =	sbr.rel $0x88, $3  }
0x1: {  	(tag) =	ssettag $0x0;
	lr =	simm.s32 $0x1  }
0x2: {  	[smem:$0x3F99] =	sst lr;
	_ =	strace $0xD0000000  }
0x3: {  	_ = 	snop  }
0x4: {  	_ = 	snop  }
0x5: {  	_ = 	snop  }
0x6: {  	_ = 	snop  }
0x7: {  	_ = 	snop  }
__scs_overlays_trampoline_lowered:
0x8: {  	[smem:$0x3FA8] =	sst s0  }
0x9: {  	[smem:$0x3FA9] =	sst s1  }
0xa: {  	[smem:$0x3FAA] =	sst s2  }
0xb: {  	[smem:$0x3FAB] =	sst s3  }
0xc: {  	[smem:$0x3FAC] =	sst s4  }
0xd: {  	[smem:$0x3FAD] =	sst s5  }
0xe: {  	[smem:$0x3FAE] =	sst s6  }
0xf: {  	[smem:$0x3FAF] =	sst s7  }
0x10: {  	[smem:$0x3FB0] =	sst s8  }
0x11: {  	[smem:$0x3FB1] =	sst s9;
	s0 =	simm.s32 @!p0 $0x0  }
0x12: {  	s1 =	sld [smem:$0x3F97];
	s0 =	simm.s32 @p0 $0x1  }
0x13: {  	[smem:$0x3FB2] =	sst s0;
	s0 =	simm.s32 @!p1 $0x0  }
0x14: {  	s2 =	sld [smem:$0x3F96];
	s0 =	simm.s32 @p1 $0x1  }
0x15: {  	[smem:$0x3FB3] =	sst s0;
	s0 =	simm.s32 @!p2 $0x0  }
0x16: {  	s3 =	sld [smem:$0x3FDB];
	s0 =	simm.s32 @p2 $0x1  }
0x17: {  	s4 =	simm.s32 $0x1BF5;
	[smem:$0x3FB5] =	sst s0  }
0x18: {  	s0 =	sld [smem:$0x3F98];
	_ =	swait.ge [sflag:s4], $0x0  }
0x19: {  	s7 =	sld [smem:$0x3F99]  }
0x1a: {  	s8 =	sadd.s32 $0xFFFFE003, lr  }
0x1b: {  	s9 =	sadd.s32 $0xFFFFFEF7, lr;
	s5 =	simm.s32 $0xFFFFFFFF;
	p2 =	slt.u32 s8, $0xFFFFF086  }
0x1c: {  	p1 =	slt.u32 s9, $0xF7A;
	s5 =	simm.s32 @!p2 $0x0  }
0x1d: {  	s5 =	simm.s32 @p1 $0x1;
	p0 =	seq.s32 s7, s2  }
0x1e: {  	s7 =	smul.u32 @!p0 $0xF7A, s2;
	p2 =	seq.s32 @!p0 s5, $0x0  }
0x1f: {  	s9 =	smul.u32 $0xF7A, s1;
	s8 =	simm.s32 @!p0 $0x1BF5;
	p2 =	por !p2, p0  }
0x20: {  	[sflag:s8] =	ssyncset.s32 @!p0 $0xFFFFF086;
	s6 =	sadd.s32 @!p0 s3, s7;
	s7 =	simm.s32 @!p0 $0x108  }
0x21: {  	s3 =	sadd.s32 s3, s9;
	s6 =	sadd.s32 @!p0 $0x88, s6;
	s7 =	simm.s32 @p2 $0x1082  }
0x22: {  	[simem:s7], [sflag:s8] =	dma.local @!p0 [hbm:s6], $0xF7A  }
0x23: {  	s9 =	sor.u32 $0xD0000000, s2;
	s6 =	simm.s32 $0x108;
	_ =	swait.ge @!p0 [sflag:s8], $0x0  }
0x24: {  	s3 =	sadd.s32 $0x88, s3;
	s6 =	simm.s32 @!p1 $0x1082;
	[sflag:s4] =	ssyncset.s32 $0xFFFFF086  }
0x25: {  	[simem:s6], [sflag:s4] =	dma.local [hbm:s3], $0xF7A  }
0x26: {  	[smem:$0x3F99] =	sst s1;
	(tag) =	ssettag s2;
	_ =	strace s9  }
0x27: {  	s1 =	sld [smem:$0x3FA9]  }
0x28: {  	s2 =	sld [smem:$0x3FAA]  }
0x29: {  	s4 =	sld [smem:$0x3FAC]  }
0x2a: {  	p0 =	seq.s32 s5, $0x0;
	s5 =	sld [smem:$0x3FAD]  }
0x2b: {  	s6 =	sld [smem:$0x3FAE]  }
0x2c: {  	s7 =	sld [smem:$0x3FAF]  }
0x2d: {  	s3 =	simm.s32 $0x108;
	s8 =	sld [smem:$0x3FB0]  }
0x2e: {  	s3 =	simm.s32 @!p0 $0x1082;
	s9 =	sld [smem:$0x3FB1]  }
0x2f: {  	lr =	sadd.s32 s0, s3;
	s0 =	sld [smem:$0x3FA8]  }
0x30: {  	s3 =	sld [smem:$0x3FAB]  }
0x31: {  	[smem:$0x3FB4] =	sst s10  }
0x32: {  	s10 =	sld [smem:$0x3FB2];
	_ =	sdelay $0x3  }
0x33: {  	p0 =	seq.s32 s10, $0x1;
	s10 =	sld [smem:$0x3FB4];
	_ =	sdelay $0x3  }
0x34: {  	[smem:$0x3FB4] =	sst s10  }
0x35: {  	s10 =	sld [smem:$0x3FB3];
	_ =	sdelay $0x3  }
0x36: {  	p1 =	seq.s32 s10, $0x1;
	s10 =	sld [smem:$0x3FB4];
	_ =	sdelay $0x3  }
0x37: {  	[smem:$0x3FB4] =	sst s10  }
0x38: {  	s10 =	sld [smem:$0x3FB5]  }
0x39: {  	_ = 	snop;
	(pc) =	sbr.ind lr, $3  }
0x3a: {  	_ = 	snop  }
0x3b: {  	_ = 	snop  }
0x3c: {  	p2 =	seq.s32 s10, $0x1;
	s10 =	sld [smem:$0x3FB4]  }
0x3d: {  	_ =	shalt  }
0x3e: {  	_ =	shalt  }
0x3f: {  	_ =	shalt  }
0x40: {  	_ =	shalt  }
0x41: {  	_ =	shalt  }
0x42: {  	_ =	shalt  }
0x43: {  	_ =	shalt  }
0x44: {  	_ =	shalt  }
0x45: {  	_ =	shalt  }
0x46: {  	_ =	shalt  }
0x47: {  	_ =	shalt  }
0x48: {  	_ =	shalt  }
0x49: {  	_ =	shalt  }
0x4a: {  	_ =	shalt  }
0x4b: {  	_ =	shalt  }
0x4c: {  	_ =	shalt  }
0x4d: {  	_ =	shalt  }
0x4e: {  	_ =	shalt  }
0x4f: {  	_ =	shalt  }
0x50: {  	_ =	shalt  }
0x51: {  	_ =	shalt  }
0x52: {  	_ =	shalt  }
0x53: {  	_ =	shalt  }
0x54: {  	_ =	shalt  }
0x55: {  	_ =	shalt  }
0x56: {  	_ =	shalt  }
0x57: {  	_ =	shalt  }
0x58: {  	_ =	shalt  }
0x59: {  	_ =	shalt  }
0x5a: {  	_ =	shalt  }
0x5b: {  	_ =	shalt  }
0x5c: {  	_ =	shalt  }
0x5d: {  	_ =	shalt  }
0x5e: {  	_ =	shalt  }
0x5f: {  	_ =	shalt  }
0x60: {  	_ =	shalt  }
0x61: {  	_ =	shalt  }
0x62: {  	_ =	shalt  }
0x63: {  	_ =	shalt  }
0x64: {  	_ =	shalt  }
0x65: {  	_ =	shalt  }
0x66: {  	_ =	shalt  }
0x67: {  	_ =	shalt  }
0x68: {  	_ =	shalt  }
0x69: {  	_ =	shalt  }
0x6a: {  	_ =	shalt  }
0x6b: {  	_ =	shalt  }
0x6c: {  	_ =	shalt  }
0x6d: {  	_ =	shalt  }
0x6e: {  	_ =	shalt  }
0x6f: {  	_ =	shalt  }
0x70: {  	_ =	shalt  }
0x71: {  	_ =	shalt  }
0x72: {  	_ =	shalt  }
0x73: {  	_ =	shalt  }
0x74: {  	_ =	shalt  }
0x75: {  	_ =	shalt  }
0x76: {  	_ =	shalt  }
0x77: {  	_ =	shalt  }
0x78: {  	_ =	shalt  }
0x79: {  	_ =	shalt  }
0x7a: {  	_ =	shalt  }
0x7b: {  	_ =	shalt  }
0x7c: {  	_ =	shalt  }
0x7d: {  	_ =	shalt  }
0x7e: {  	_ =	shalt  }
0x7f: {  	_ =	shalt  }
0x80: {  	_ =	shalt  }
0x81: {  	_ =	shalt  }
0x82: {  	_ =	shalt  }
0x83: {  	_ =	shalt  }
0x84: {  	_ =	shalt  }
0x85: {  	_ =	shalt  }
0x86: {  	_ =	shalt  }
0x87: {  	_ =	shalt  }
.Lfunc_end0:
.L_simem_size_0:
called_computation_lowered:
.L_overlay_start_0:
0x88: {  	s2 =	sld [smem:$0x3FD9]  }
0x89: {  	s3 =	sld [smem:$0x3FFE];
	_ =	sdelay $0x1  }
0x8a: {  	s1 =	srdreg.scid  }
0x8b: {  	s0 =	sand.u32 $0x1, s1  }
0x8c: {  	s17 =	sshll.u32 s0, $0xA;
	s2 =	sadd.s32 s3, s2  }
0x8d: {  	s2 =	sadd.s32 s2, s17  }
0x8e: {  	[smem:$0x3FC0] =	sst s2  }
0x8f: {  	_ = 	snop  }
0x90: {  	s2 =	sld [smem:$0x3FC9];
	(tm) =	ssettm $0x1  }
0x91: {  	s18 =	sld [smem:$0x3FFB];
	_ =	sdelay $0x3  }
0x92: {  	_ =	strace s18  }
0x93: {  	s3 =	sld [smem:$0x3FFC];
	_ =	sdelay $0x3  }
0x94: {  	_ =	strace s3  }
0x95: {  	s3 =	sld [smem:$0x3FFD];
	_ =	sdelay $0x3  }
0x96: {  	_ =	strace s3  }
0x97: {  	_ =	strace $0x8FFFFFFF  }
0x98: {  	s19 =	sld [smem:$0x3FDB];
	_ =	sdelay $0x1  }
0x99: {  	s4 =	simm.s32 $_scs_section_size  }
0x9a: {  	s5 =	simm.s32 $_size__tile_overlayer_lowered;
	s6 =	simm.s32 $_tile_overlayer_lowered  }
0x9b: {  	s22 =	simm.s32 $0x1BFF;
	s21 =	sshll.u32 s6, $0x1;
	s3 =	sadd.s32 s4, s19  }
0x9c: {  	s7 =	simm.s32 $0x0;
	s20 =	sshll.u32 s5, $0x1;
	s5 =	sadd.s32 s21, s3  }
0x9d: {  	[timem:s7], [sflag:s22] =	dma.local [hbm:s5], s20  }
0x9e: {  	_ =	swait.ge [sflag:s22], s20  }
0x9f: {  	s4 =	ssub.s32 $0x0, s20;
	[sflag:s22] =	ssyncset.done $0x0  }
0xa0: {  	[sflag:s22] =	ssyncadd.s32 s4;
	_ =	sdelay $0x1  }
0xa1: {  	s23 =	simm.s32 $0x1B8B  }
0xa2: {  	_ =	swait.ge [sflag:s23], $0x1  }
0xa3: {  	[sflag:s23] =	ssyncset.done $0x0  }
0xa4: {  	s25 =	simm.s32 $0x1B8E;
	s24 =	sld [smem:$0x3FFE];
	[sflag:s23] =	ssyncadd.s32 $0xFFFFFFFF  }
0xa5: {  	s26 =	simm.s32 $execute0_lowered;
	[smem:$0x3FD2] =	sst s25  }
0xa6: {  	s5 =	sshll.u32 s26, $0x1;
	_ =	strace $0x80000046;
	[dreg:$0x1] =	wrdreg $0xFFFFFFFF  }
0xa7: {  	s28 =	simm.s32 $_size_execute0_lowered;
	s3 =	sadd.s32 s3, s5;
	[dreg:$0x0] =	wrdreg $0x0  }
0xa8: {  	s5 =	sshll.u32 s28, $0x1;
	[dreg:$0x2] =	wrdreg s3  }
0xa9: {  	[dreg:$0x3] =	wrdreg s5  }
0xaa: {  	[dreg:$0x4] =	wrdreg $0xC0  }
0xab: {  	_ =	task [dreg:s7], $0x5FFFF  }
0xac: {  	[dreg:$0x1] =	wrdreg $0xFFFFFFFF  }
0xad: {  	[dreg:$0x0] =	wrdreg $0x60  }
0xae: {  	[dreg:$0x2] =	wrdreg s2  }
0xaf: {  	[dreg:$0x3] =	wrdreg s24  }
0xb0: {  	[dreg:$0x4] =	wrdreg $0x9  }
0xb1: {  	_ =	task.clear_ibuf [dreg:s7], $0x5FFFF;
	_ =	strace $0x90000046  }
0xb2: {  	s29 =	simm.s32 $0x9;
	_ =	strace $0x80000048  }
0xb3: {  	_ =	swait.ge [sflag:s29], $0x1  }
0xb4: {  	[sflag:s29] =	ssyncadd.s32 $0xFFFFFFFF  }
0xb5: {  	_ =	strace $0x90000048  }
0xb6: {  	_ =	sfence  }
0xb7: {  	s30 =	sld [smem:$0x0];
	_ =	sdelay $0x2  }
0xb8: {  	s31 =	sshll.u32 s1, $0xD;
	s1 =	sshrl.u32 s1, $0x2  }
0xb9: {  	s3 =	sand.u32 $0x4000, s31;
	s1 =	sadd.s32 s1, s30  }
0xba: {  	s0 =	sor.u32 s3, s0;
	s1 =	sshll.u32 s1, $0x11  }
0xbb: {  	s0 =	sor.u32 s1, s0  }
0xbc: {  	s0 =	sadd.s32 $0x8F2B, s0  }
0xbd: {  	[sflag:s0] =	ssyncadd.remote.s32 $0x1  }
0xbe: {  	_ =	sfence.sel $0xFFFF  }
0xbf: {  	[dreg:$0x0] =	wrdreg $0xFFFFFFFF;
	(pc) =	sbr.abs _section_cstart, $3  }
0xc0: {  	[dreg:$0x1] =	wrdreg $0xFFFFFFFF  }
0xc1: {  	_ =	task.clear_ibuf [dreg:s7], $0x2FFFF;
	_ =	strace $0x9FFFFFFF  }
0xc2: {  	(tm) =	ssettm $0x7FFFFFFF  }
0xc3: {  	_ =	shalt  }
tec
execute0_lowered:
.L_overlay_start_1:
0x0: {  	(tag) =	ssettag $0x1  }
0x1: {  	s1 =	srdreg.scid;
	s0 =	stileid.u32  }
0x2: {  	s14 =	sand.u32 $0x1, s1;
	s31 =	sshll.u32 s0, $0x1  }
0x3: {  	s3 =	rddreg [dreg:$0x0];
	s10 =	sor.u32 s14, s31  }
0x4: {  	s12 =	rddreg [dreg:$0x1];
	s2 =	simm.s32 $0x0;
	s4 =	smul.u32 $0xD2F00, s10  }
0x5: {  	s23 =	simm.s32 $0xBB80;
	s26 =	simm.s32 $0x17700;
	s13 =	sshll.u32 s10, $0x4  }
0x6: {  	[smem:$0x7FF] =	sst s2;
	s21 =	sadd.s32 s13, s12;
	s4 =	sshrl.u32 s4, $0x3  }
0x7: {  	_ =	strace $0x80000047;
	s21 =	sadd.s32 $0x1400, s21;
	s20 =	sadd.s32 s3, s4  }
0x8: {  	s3 =	sadd.s32 $0x196400, s20;
	s4 =	sadd.s32 $0x197B70, s20  }
0x9: {  	s24 =	simm.s32 $0x1;
	s5 =	sadd.s32 $0x1992E0, s20;
	s6 =	sadd.s32 $0x19AA50, s20  }
0xa: {  	s25 =	simm.s32 $0x2;
	s7 =	sadd.s32 $0x19C1C0, s20;
	s8 =	sadd.s32 $0x19D930, s20  }
0xb: {  	s28 =	simm.s32 $0x3;
	s9 =	sadd.s32 $0x19F0A0, s20;
	s10 =	sadd.s32 $0x1A0810, s20  }
0xc: {  	s29 =	simm.s32 $0x0;
	s11 =	sadd.s32 $0x1A1F80, s20;
	s12 =	sadd.s32 $0x1A36F0, s20  }
0xd: {  	s18 =	ssub.s32 $0x2, s14;
	s13 =	sadd.s32 $0x1A4E60, s20;
	s14 =	sadd.s32 $0x1A65D0, s20  }
0xe: {  	s19 =	sshrl.u32 s18, $0x1;
	s15 =	sadd.s32 $0x1A7D40, s20;
	s16 =	sadd.s32 $0x1A94B0, s20  }
0xf: {  	s22 =	ssub.s32 s18, s19;
	s17 =	sadd.s32 $0x1AAC20, s20;
	s18 =	sadd.s32 $0x1AC390, s20  }
0x10: {  	s22 =	smax.u32 s22, $0x1;
	s19 =	sadd.s32 $0x1ADB00, s20;
	s20 =	sadd.s32 $0x1AF270, s20  }
.LBB2_1:
0x11: {  	[tilespmem:s2], [sflag:$0x1] =	stream.linear.gather [hbm4b:s3+s2], $0xBB80, $0x38;
	[tilespmem:$0x17780] =	vst v63  }
0x12: {  	_ = 	snop  }
0x13: {  	[tilespmem:s23], [sflag:$0x2] =	stream.linear.gather [hbm4b:s4+s2], $0xBB80, $0x38;
	[tilespmem:$0x17780] =	vst v63  }
0x14: {  	_ =	swait.ge [sflag:s24], $0xBB80  }
0x15: {  	[sflag:s24] =	ssyncset.done $0x0  }
0x16: {  	s1 =	simm.s32 $0x0;
	[sflag:s24] =	ssyncadd.s32 $0xFFFF4480  }
0x17: {  	v0 =	vld [tilespmem:s1+$0x70]  }
0x18: {  	v2 =	vld [tilespmem:s1+$0x0]  }
0x19: {  	v4 =	vld [tilespmem:s1+$0x10]  }
0x1a: {  	v5 =	vld [tilespmem:s1+$0x20]  }
0x1b: {  	v8 =	vld [tilespmem:s1+$0x30]  }
0x1c: {  	v3 =	vimm.f32 $0.0e+00;
	v9 =	vimm.f32 $0.0e+00;
	v6 =	vld [tilespmem:s1+$0x40]  }
0x1d: {  	v10 =	vimm.f32 $0.0e+00;
	v7 =	vimm.f32 $0.0e+00;
	v11 =	vld [tilespmem:s1+$0x50];
	v1 =	vadd.f32 v0, v3  }
0x1e: {  	s30 =	simm.s32 $0x80;
	s31 =	simm.s32 $0x400;
	v12 =	vld [tilespmem:s1+$0x60];
	v0 =	vadd.f32 v2, v3;
	v2 =	vadd.f32 v4, v3;
	v4 =	vimm.f32 $0.0e+00  }
.LBB2_2:
0x1f: {  	p0 =	sne.s32 s31, $0x2EC00;
	v13 =	vld [tilespmem:s30+$0x70];
	v3 =	vadd.f32 v5, v3  }
0x20: {  	v14 =	vld [tilespmem:s30+$0x0];
	v4 =	vadd.f32 v8, v4  }
0x21: {  	v15 =	vld [tilespmem:s30+$0x10];
	v9 =	vadd.f32 v6, v9  }
.Ltmp0:
0x22: {  	v5 =	vld [tilespmem:s30+$0x20];
	v10 =	vadd.f32 v11, v10;
	(pc) =	sbr.rel @p0 .LBB2_2-.Ltmp0, $4  }
0x23: {  	v8 =	vld [tilespmem:s30+$0x30];
	v7 =	vadd.f32 v12, v7  }
0x24: {  	v6 =	vld [tilespmem:s30+$0x40];
	v1 =	vadd.f32 v13, v1  }
0x25: {  	v0 =	vadd.f32 v14, v0;
	v11 =	vld [tilespmem:s30+$0x50]  }
0x26: {  	v2 =	vadd.f32 v15, v2;
	v12 =	vld [tilespmem:s30+$0x60];
	s30 =	sshra.s32 s31, $0x2;
	s31 =	sadd.s32 $0x200, s31  }
0x27: {  	v13 =	vld [tilespmem:s30+$0x70]  }
0x28: {  	v14 =	vld [tilespmem:s30+$0x0]  }
0x29: {  	v15 =	vld [tilespmem:s30+$0x10]  }
0x2a: {  	v16 =	vld [tilespmem:s30+$0x20]  }
0x2b: {  	v17 =	vld [tilespmem:s30+$0x30]  }
0x2c: {  	v18 =	vld [tilespmem:s30+$0x40]  }
0x2d: {  	v19 =	vld [tilespmem:s30+$0x50];
	s1 =	simm.s32 $0x0  }
0x2e: {  	v20 =	vld [tilespmem:s30+$0x60];
	[tilespmem:s1], [sflag:$0x1] =	stream.linear.gather [hbm4b:s5+s1], $0xBB80, $0x38  }
0x2f: {  	_ =	swait.ge [sflag:s25], $0xBB80  }
0x30: {  	[sflag:s25] =	ssyncset.done $0x0  }
0x31: {  	s1 =	simm.s32 $0x0;
	[sflag:s25] =	ssyncadd.s32 $0xFFFF4480  }
0x32: {  	v3 =	vadd.f32 v5, v3;
	v4 =	vadd.f32 v8, v4;
	v5 =	vld [tilespmem:s1+$0xBBF0]  }
0x33: {  	v6 =	vadd.f32 v6, v9;
	v10 =	vadd.f32 v11, v10;
	v21 =	vld [tilespmem:s1+$0xBB80]  }
0x34: {  	v7 =	vadd.f32 v12, v7;
	v11 =	vadd.f32 v13, v1;
	v12 =	vld [tilespmem:s1+$0xBB90]  }
0x35: {  	v13 =	vadd.f32 v14, v0;
	v14 =	vadd.f32 v15, v2;
	v8 =	vld [tilespmem:s1+$0xBBA0]  }
0x36: {  	v0 =	vadd.f32 v16, v3;
	v1 =	vadd.f32 v17, v4;
	v9 =	vld [tilespmem:s1+$0xBBB0]  }
0x37: {  	v2 =	vadd.f32 v18, v6;
	v3 =	vadd.f32 v19, v10;
	v10 =	vld [tilespmem:s1+$0xBBC0]  }
0x38: {  	v4 =	vadd.f32 v20, v7;
	v5 =	vadd.f32 v5, v11;
	v11 =	vld [tilespmem:s1+$0xBBD0]  }
0x39: {  	s30 =	simm.s32 $0x80;
	s31 =	simm.s32 $0x400;
	v6 =	vadd.f32 v21, v13;
	v7 =	vadd.f32 v12, v14;
	v12 =	vld [tilespmem:s1+$0xBBE0]  }
.LBB2_4:
0x3a: {  	p0 =	sne.s32 s31, $0x2EC00;
	v13 =	vld [tilespmem:s30+$0xBBF0];
	v0 =	vadd.f32 v8, v0  }
0x3b: {  	v14 =	vld [tilespmem:s30+$0xBB80];
	v1 =	vadd.f32 v9, v1  }
0x3c: {  	v15 =	vld [tilespmem:s30+$0xBB90];
	v2 =	vadd.f32 v10, v2  }
.Ltmp1:
0x3d: {  	v8 =	vld [tilespmem:s30+$0xBBA0];
	v3 =	vadd.f32 v11, v3;
	(pc) =	sbr.rel @p0 .LBB2_4-.Ltmp1, $4  }
0x3e: {  	v9 =	vld [tilespmem:s30+$0xBBB0];
	v4 =	vadd.f32 v12, v4  }
0x3f: {  	v10 =	vld [tilespmem:s30+$0xBBC0];
	v5 =	vadd.f32 v13, v5  }
0x40: {  	v6 =	vadd.f32 v14, v6;
	v11 =	vld [tilespmem:s30+$0xBBD0]  }
0x41: {  	v7 =	vadd.f32 v15, v7;
	v12 =	vld [tilespmem:s30+$0xBBE0];
	s30 =	sshra.s32 s31, $0x2;
	s31 =	sadd.s32 $0x200, s31  }
0x42: {  	v13 =	vld [tilespmem:s30+$0xBBF0]  }
0x43: {  	v14 =	vld [tilespmem:s30+$0xBB80]  }
0x44: {  	v15 =	vld [tilespmem:s30+$0xBB90]  }
0x45: {  	v16 =	vld [tilespmem:s30+$0xBBA0]  }
0x46: {  	v17 =	vld [tilespmem:s30+$0xBBB0]  }
0x47: {  	v18 =	vld [tilespmem:s30+$0xBBC0]  }
0x48: {  	v19 =	vld [tilespmem:s30+$0xBBD0];
	s1 =	simm.s32 $0x0  }
0x49: {  	v20 =	vld [tilespmem:s30+$0xBBE0];
	[tilespmem:s23], [sflag:$0x2] =	stream.linear.gather [hbm4b:s6+s1], $0xBB80, $0x38  }
0x4a: {  	_ =	swait.ge [sflag:s24], $0xBB80  }
0x4b: {  	[sflag:s24] =	ssyncset.done $0x0  }
0x4c: {  	s1 =	simm.s32 $0x0;
	[sflag:s24] =	ssyncadd.s32 $0xFFFF4480  }
0x4d: {  	v0 =	vadd.f32 v8, v0;
	v1 =	vadd.f32 v9, v1;
	v21 =	vld [tilespmem:s1+$0x70]  }
0x4e: {  	v2 =	vadd.f32 v10, v2;
	v3 =	vadd.f32 v11, v3;
	v22 =	vld [tilespmem:s1+$0x0]  }
0x4f: {  	v4 =	vadd.f32 v12, v4;
	v5 =	vadd.f32 v13, v5;
	v12 =	vld [tilespmem:s1+$0x10]  }
0x50: {  	v6 =	vadd.f32 v14, v6;
	v7 =	vadd.f32 v15, v7;
	v8 =	vld [tilespmem:s1+$0x20]  }
0x51: {  	v0 =	vadd.f32 v16, v0;
	v1 =	vadd.f32 v17, v1;
	v9 =	vld [tilespmem:s1+$0x30]  }
0x52: {  	v2 =	vadd.f32 v18, v2;
	v3 =	vadd.f32 v19, v3;
	v10 =	vld [tilespmem:s1+$0x40]  }
0x53: {  	v11 =	vld [tilespmem:s1+$0x50];
	v4 =	vadd.f32 v20, v4;
	v5 =	vadd.f32 v21, v5  }
0x54: {  	s30 =	simm.s32 $0x80;
	s31 =	simm.s32 $0x400;
	v6 =	vadd.f32 v22, v6;
	v7 =	vadd.f32 v12, v7;
	v12 =	vld [tilespmem:s1+$0x60]  }
.LBB2_6:
0x55: {  	p0 =	sne.s32 s31, $0x2EC00;
	v13 =	vld [tilespmem:s30+$0x70];
	v0 =	vadd.f32 v8, v0  }
0x56: {  	v14 =	vld [tilespmem:s30+$0x0];
	v1 =	vadd.f32 v9, v1  }
0x57: {  	v15 =	vld [tilespmem:s30+$0x10];
	v2 =	vadd.f32 v10, v2  }
.Ltmp2:
0x58: {  	v8 =	vld [tilespmem:s30+$0x20];
	v3 =	vadd.f32 v11, v3;
	(pc) =	sbr.rel @p0 .LBB2_6-.Ltmp2, $4  }
0x59: {  	v9 =	vld [tilespmem:s30+$0x30];
	v4 =	vadd.f32 v12, v4  }
0x5a: {  	v10 =	vld [tilespmem:s30+$0x40];
	v5 =	vadd.f32 v13, v5  }
0x5b: {  	v6 =	vadd.f32 v14, v6;
	v11 =	vld [tilespmem:s30+$0x50]  }
0x5c: {  	v7 =	vadd.f32 v15, v7;
	v12 =	vld [tilespmem:s30+$0x60];
	s30 =	sshra.s32 s31, $0x2;
	s31 =	sadd.s32 $0x200, s31  }
0x5d: {  	v13 =	vld [tilespmem:s30+$0x70]  }
0x5e: {  	v14 =	vld [tilespmem:s30+$0x0]  }
0x5f: {  	v15 =	vld [tilespmem:s30+$0x10]  }
0x60: {  	v16 =	vld [tilespmem:s30+$0x20]  }
0x61: {  	v17 =	vld [tilespmem:s30+$0x30]  }
0x62: {  	v18 =	vld [tilespmem:s30+$0x40]  }
0x63: {  	v19 =	vld [tilespmem:s30+$0x50];
	s1 =	simm.s32 $0x0  }
0x64: {  	v20 =	vld [tilespmem:s30+$0x60];
	[tilespmem:s1], [sflag:$0x1] =	stream.linear.gather [hbm4b:s7+s1], $0xBB80, $0x38  }
0x65: {  	_ =	swait.ge [sflag:s25], $0xBB80  }
0x66: {  	[sflag:s25] =	ssyncset.done $0x0  }
0x67: {  	s1 =	simm.s32 $0x0;
	[sflag:s25] =	ssyncadd.s32 $0xFFFF4480  }
0x68: {  	v0 =	vadd.f32 v8, v0;
	v1 =	vadd.f32 v9, v1;
	v21 =	vld [tilespmem:s1+$0xBBF0]  }
0x69: {  	v2 =	vadd.f32 v10, v2;
	v3 =	vadd.f32 v11, v3;
	v22 =	vld [tilespmem:s1+$0xBB80]  }
0x6a: {  	v4 =	vadd.f32 v12, v4;
	v5 =	vadd.f32 v13, v5;
	v12 =	vld [tilespmem:s1+$0xBB90]  }
0x6b: {  	v6 =	vadd.f32 v14, v6;
	v7 =	vadd.f32 v15, v7;
	v8 =	vld [tilespmem:s1+$0xBBA0]  }
0x6c: {  	v0 =	vadd.f32 v16, v0;
	v1 =	vadd.f32 v17, v1;
	v9 =	vld [tilespmem:s1+$0xBBB0]  }
0x6d: {  	v2 =	vadd.f32 v18, v2;
	v3 =	vadd.f32 v19, v3;
	v10 =	vld [tilespmem:s1+$0xBBC0]  }
0x6e: {  	v11 =	vld [tilespmem:s1+$0xBBD0];
	v4 =	vadd.f32 v20, v4;
	v5 =	vadd.f32 v21, v5  }
0x6f: {  	s30 =	simm.s32 $0x80;
	s31 =	simm.s32 $0x400;
	v6 =	vadd.f32 v22, v6;
	v7 =	vadd.f32 v12, v7;
	v12 =	vld [tilespmem:s1+$0xBBE0]  }
.LBB2_8:
0x70: {  	p0 =	sne.s32 s31, $0x2EC00;
	v13 =	vld [tilespmem:s30+$0xBBF0];
	v0 =	vadd.f32 v8, v0  }
0x71: {  	v14 =	vld [tilespmem:s30+$0xBB80];
	v1 =	vadd.f32 v9, v1  }
0x72: {  	v15 =	vld [tilespmem:s30+$0xBB90];
	v2 =	vadd.f32 v10, v2  }
.Ltmp3:
0x73: {  	v8 =	vld [tilespmem:s30+$0xBBA0];
	v3 =	vadd.f32 v11, v3;
	(pc) =	sbr.rel @p0 .LBB2_8-.Ltmp3, $4  }
0x74: {  	v9 =	vld [tilespmem:s30+$0xBBB0];
	v4 =	vadd.f32 v12, v4  }
0x75: {  	v10 =	vld [tilespmem:s30+$0xBBC0];
	v5 =	vadd.f32 v13, v5  }
0x76: {  	v6 =	vadd.f32 v14, v6;
	v11 =	vld [tilespmem:s30+$0xBBD0]  }
0x77: {  	v7 =	vadd.f32 v15, v7;
	v12 =	vld [tilespmem:s30+$0xBBE0];
	s30 =	sshra.s32 s31, $0x2;
	s31 =	sadd.s32 $0x200, s31  }
0x78: {  	v13 =	vld [tilespmem:s30+$0xBBF0]  }
0x79: {  	v14 =	vld [tilespmem:s30+$0xBB80]  }
0x7a: {  	v15 =	vld [tilespmem:s30+$0xBB90]  }
0x7b: {  	v16 =	vld [tilespmem:s30+$0xBBA0]  }
0x7c: {  	v17 =	vld [tilespmem:s30+$0xBBB0]  }
0x7d: {  	v18 =	vld [tilespmem:s30+$0xBBC0]  }
0x7e: {  	v19 =	vld [tilespmem:s30+$0xBBD0];
	s1 =	simm.s32 $0x0  }
0x7f: {  	v20 =	vld [tilespmem:s30+$0xBBE0];
	[tilespmem:s23], [sflag:$0x2] =	stream.linear.gather [hbm4b:s8+s1], $0xBB80, $0x38  }
0x80: {  	_ =	swait.ge [sflag:s24], $0xBB80  }
0x81: {  	[sflag:s24] =	ssyncset.done $0x0  }
0x82: {  	s1 =	simm.s32 $0x0;
	[sflag:s24] =	ssyncadd.s32 $0xFFFF4480  }
0x83: {  	v0 =	vadd.f32 v8, v0;
	v1 =	vadd.f32 v9, v1;
	v21 =	vld [tilespmem:s1+$0x70]  }
0x84: {  	v2 =	vadd.f32 v10, v2;
	v3 =	vadd.f32 v11, v3;
	v22 =	vld [tilespmem:s1+$0x0]  }
0x85: {  	v4 =	vadd.f32 v12, v4;
	v5 =	vadd.f32 v13, v5;
	v12 =	vld [tilespmem:s1+$0x10]  }
0x86: {  	v6 =	vadd.f32 v14, v6;
	v7 =	vadd.f32 v15, v7;
	v8 =	vld [tilespmem:s1+$0x20]  }
0x87: {  	v0 =	vadd.f32 v16, v0;
	v1 =	vadd.f32 v17, v1;
	v9 =	vld [tilespmem:s1+$0x30]  }
0x88: {  	v2 =	vadd.f32 v18, v2;
	v3 =	vadd.f32 v19, v3;
	v10 =	vld [tilespmem:s1+$0x40]  }
0x89: {  	v11 =	vld [tilespmem:s1+$0x50];
	v4 =	vadd.f32 v20, v4;
	v5 =	vadd.f32 v21, v5  }
0x8a: {  	s30 =	simm.s32 $0x80;
	s31 =	simm.s32 $0x400;
	v6 =	vadd.f32 v22, v6;
	v7 =	vadd.f32 v12, v7;
	v12 =	vld [tilespmem:s1+$0x60]  }
.LBB2_10:
0x8b: {  	p0 =	sne.s32 s31, $0x2EC00;
	v13 =	vld [tilespmem:s30+$0x70];
	v0 =	vadd.f32 v8, v0  }
0x8c: {  	v14 =	vld [tilespmem:s30+$0x0];
	v1 =	vadd.f32 v9, v1  }
0x8d: {  	v15 =	vld [tilespmem:s30+$0x10];
	v2 =	vadd.f32 v10, v2  }
.Ltmp4:
0x8e: {  	v8 =	vld [tilespmem:s30+$0x20];
	v3 =	vadd.f32 v11, v3;
	(pc) =	sbr.rel @p0 .LBB2_10-.Ltmp4, $4  }
0x8f: {  	v9 =	vld [tilespmem:s30+$0x30];
	v4 =	vadd.f32 v12, v4  }
0x90: {  	v10 =	vld [tilespmem:s30+$0x40];
	v5 =	vadd.f32 v13, v5  }
0x91: {  	v6 =	vadd.f32 v14, v6;
	v11 =	vld [tilespmem:s30+$0x50]  }
0x92: {  	v7 =	vadd.f32 v15, v7;
	v12 =	vld [tilespmem:s30+$0x60];
	s30 =	sshra.s32 s31, $0x2;
	s31 =	sadd.s32 $0x200, s31  }
0x93: {  	v13 =	vld [tilespmem:s30+$0x70]  }
0x94: {  	v14 =	vld [tilespmem:s30+$0x0]  }
0x95: {  	v15 =	vld [tilespmem:s30+$0x10]  }
0x96: {  	v16 =	vld [tilespmem:s30+$0x20]  }
0x97: {  	v17 =	vld [tilespmem:s30+$0x30]  }
0x98: {  	v18 =	vld [tilespmem:s30+$0x40]  }
0x99: {  	v19 =	vld [tilespmem:s30+$0x50];
	s1 =	simm.s32 $0x0  }
0x9a: {  	v20 =	vld [tilespmem:s30+$0x60];
	[tilespmem:s1], [sflag:$0x1] =	stream.linear.gather [hbm4b:s9+s1], $0xBB80, $0x38  }
0x9b: {  	_ =	swait.ge [sflag:s25], $0xBB80  }
0x9c: {  	[sflag:s25] =	ssyncset.done $0x0  }
0x9d: {  	s1 =	simm.s32 $0x0;
	[sflag:s25] =	ssyncadd.s32 $0xFFFF4480  }
0x9e: {  	v0 =	vadd.f32 v8, v0;
	v1 =	vadd.f32 v9, v1;
	v21 =	vld [tilespmem:s1+$0xBBF0]  }
0x9f: {  	v2 =	vadd.f32 v10, v2;
	v3 =	vadd.f32 v11, v3;
	v22 =	vld [tilespmem:s1+$0xBB80]  }
0xa0: {  	v4 =	vadd.f32 v12, v4;
	v5 =	vadd.f32 v13, v5;
	v12 =	vld [tilespmem:s1+$0xBB90]  }
0xa1: {  	v6 =	vadd.f32 v14, v6;
	v7 =	vadd.f32 v15, v7;
	v8 =	vld [tilespmem:s1+$0xBBA0]  }
0xa2: {  	v0 =	vadd.f32 v16, v0;
	v1 =	vadd.f32 v17, v1;
	v9 =	vld [tilespmem:s1+$0xBBB0]  }
0xa3: {  	v2 =	vadd.f32 v18, v2;
	v3 =	vadd.f32 v19, v3;
	v10 =	vld [tilespmem:s1+$0xBBC0]  }
0xa4: {  	v11 =	vld [tilespmem:s1+$0xBBD0];
	v4 =	vadd.f32 v20, v4;
	v5 =	vadd.f32 v21, v5  }
0xa5: {  	s30 =	simm.s32 $0x80;
	s31 =	simm.s32 $0x400;
	v6 =	vadd.f32 v22, v6;
	v7 =	vadd.f32 v12, v7;
	v12 =	vld [tilespmem:s1+$0xBBE0]  }
.LBB2_12:
0xa6: {  	p0 =	sne.s32 s31, $0x2EC00;
	v13 =	vld [tilespmem:s30+$0xBBF0];
	v0 =	vadd.f32 v8, v0  }
0xa7: {  	v14 =	vld [tilespmem:s30+$0xBB80];
	v1 =	vadd.f32 v9, v1  }
0xa8: {  	v15 =	vld [tilespmem:s30+$0xBB90];
	v2 =	vadd.f32 v10, v2  }
.Ltmp5:
0xa9: {  	v8 =	vld [tilespmem:s30+$0xBBA0];
	v3 =	vadd.f32 v11, v3;
	(pc) =	sbr.rel @p0 .LBB2_12-.Ltmp5, $4  }
0xaa: {  	v9 =	vld [tilespmem:s30+$0xBBB0];
	v4 =	vadd.f32 v12, v4  }
0xab: {  	v10 =	vld [tilespmem:s30+$0xBBC0];
	v5 =	vadd.f32 v13, v5  }
0xac: {  	v6 =	vadd.f32 v14, v6;
	v11 =	vld [tilespmem:s30+$0xBBD0]  }
0xad: {  	v7 =	vadd.f32 v15, v7;
	v12 =	vld [tilespmem:s30+$0xBBE0];
	s30 =	sshra.s32 s31, $0x2;
	s31 =	sadd.s32 $0x200, s31  }
0xae: {  	v13 =	vld [tilespmem:s30+$0xBBF0]  }
0xaf: {  	v14 =	vld [tilespmem:s30+$0xBB80]  }
0xb0: {  	v15 =	vld [tilespmem:s30+$0xBB90]  }
0xb1: {  	v16 =	vld [tilespmem:s30+$0xBBA0]  }
0xb2: {  	v17 =	vld [tilespmem:s30+$0xBBB0]  }
0xb3: {  	v18 =	vld [tilespmem:s30+$0xBBC0]  }
0xb4: {  	v19 =	vld [tilespmem:s30+$0xBBD0];
	s1 =	simm.s32 $0x0  }
0xb5: {  	v20 =	vld [tilespmem:s30+$0xBBE0];
	[tilespmem:s23], [sflag:$0x2] =	stream.linear.gather [hbm4b:s10+s1], $0xBB80, $0x38  }
0xb6: {  	_ =	swait.ge [sflag:s24], $0xBB80  }
0xb7: {  	[sflag:s24] =	ssyncset.done $0x0  }
0xb8: {  	s1 =	simm.s32 $0x0;
	[sflag:s24] =	ssyncadd.s32 $0xFFFF4480  }
0xb9: {  	v0 =	vadd.f32 v8, v0;
	v1 =	vadd.f32 v9, v1;
	v21 =	vld [tilespmem:s1+$0x70]  }
0xba: {  	v2 =	vadd.f32 v10, v2;
	v3 =	vadd.f32 v11, v3;
	v22 =	vld [tilespmem:s1+$0x0]  }
0xbb: {  	v4 =	vadd.f32 v12, v4;
	v5 =	vadd.f32 v13, v5;
	v12 =	vld [tilespmem:s1+$0x10]  }
0xbc: {  	v6 =	vadd.f32 v14, v6;
	v7 =	vadd.f32 v15, v7;
	v8 =	vld [tilespmem:s1+$0x20]  }
0xbd: {  	v0 =	vadd.f32 v16, v0;
	v1 =	vadd.f32 v17, v1;
	v9 =	vld [tilespmem:s1+$0x30]  }
0xbe: {  	v2 =	vadd.f32 v18, v2;
	v3 =	vadd.f32 v19, v3;
	v10 =	vld [tilespmem:s1+$0x40]  }
0xbf: {  	v11 =	vld [tilespmem:s1+$0x50];
	v4 =	vadd.f32 v20, v4;
	v5 =	vadd.f32 v21, v5  }
0xc0: {  	s30 =	simm.s32 $0x80;
	s31 =	simm.s32 $0x400;
	v6 =	vadd.f32 v22, v6;
	v7 =	vadd.f32 v12, v7;
	v12 =	vld [tilespmem:s1+$0x60]  }
.LBB2_14:
0xc1: {  	p0 =	sne.s32 s31, $0x2EC00;
	v13 =	vld [tilespmem:s30+$0x70];
	v0 =	vadd.f32 v8, v0  }
0xc2: {  	v14 =	vld [tilespmem:s30+$0x0];
	v1 =	vadd.f32 v9, v1  }
0xc3: {  	v15 =	vld [tilespmem:s30+$0x10];
	v2 =	vadd.f32 v10, v2  }
.Ltmp6:
0xc4: {  	v8 =	vld [tilespmem:s30+$0x20];
	v3 =	vadd.f32 v11, v3;
	(pc) =	sbr.rel @p0 .LBB2_14-.Ltmp6, $4  }
0xc5: {  	v9 =	vld [tilespmem:s30+$0x30];
	v4 =	vadd.f32 v12, v4  }
0xc6: {  	v10 =	vld [tilespmem:s30+$0x40];
	v5 =	vadd.f32 v13, v5  }
0xc7: {  	v6 =	vadd.f32 v14, v6;
	v11 =	vld [tilespmem:s30+$0x50]  }
0xc8: {  	v7 =	vadd.f32 v15, v7;
	v12 =	vld [tilespmem:s30+$0x60];
	s30 =	sshra.s32 s31, $0x2;
	s31 =	sadd.s32 $0x200, s31  }
0xc9: {  	v13 =	vld [tilespmem:s30+$0x70]  }
0xca: {  	v14 =	vld [tilespmem:s30+$0x0]  }
0xcb: {  	v15 =	vld [tilespmem:s30+$0x10]  }
0xcc: {  	v16 =	vld [tilespmem:s30+$0x20]  }
0xcd: {  	v17 =	vld [tilespmem:s30+$0x30]  }
0xce: {  	v18 =	vld [tilespmem:s30+$0x40]  }
0xcf: {  	v19 =	vld [tilespmem:s30+$0x50];
	s1 =	simm.s32 $0x0  }
0xd0: {  	v20 =	vld [tilespmem:s30+$0x60];
	[tilespmem:s1], [sflag:$0x1] =	stream.linear.gather [hbm4b:s11+s1], $0xBB80, $0x38  }
0xd1: {  	_ =	swait.ge [sflag:s25], $0xBB80  }
0xd2: {  	[sflag:s25] =	ssyncset.done $0x0  }
0xd3: {  	s1 =	simm.s32 $0x0;
	[sflag:s25] =	ssyncadd.s32 $0xFFFF4480  }
0xd4: {  	v0 =	vadd.f32 v8, v0;
	v1 =	vadd.f32 v9, v1;
	v21 =	vld [tilespmem:s1+$0xBBF0]  }
0xd5: {  	v2 =	vadd.f32 v10, v2;
	v3 =	vadd.f32 v11, v3;
	v22 =	vld [tilespmem:s1+$0xBB80]  }
0xd6: {  	v4 =	vadd.f32 v12, v4;
	v5 =	vadd.f32 v13, v5;
	v12 =	vld [tilespmem:s1+$0xBB90]  }
0xd7: {  	v6 =	vadd.f32 v14, v6;
	v7 =	vadd.f32 v15, v7;
	v8 =	vld [tilespmem:s1+$0xBBA0]  }
0xd8: {  	v0 =	vadd.f32 v16, v0;
	v1 =	vadd.f32 v17, v1;
	v9 =	vld [tilespmem:s1+$0xBBB0]  }
0xd9: {  	v2 =	vadd.f32 v18, v2;
	v3 =	vadd.f32 v19, v3;
	v10 =	vld [tilespmem:s1+$0xBBC0]  }
0xda: {  	v11 =	vld [tilespmem:s1+$0xBBD0];
	v4 =	vadd.f32 v20, v4;
	v5 =	vadd.f32 v21, v5  }
0xdb: {  	s30 =	simm.s32 $0x80;
	s31 =	simm.s32 $0x400;
	v6 =	vadd.f32 v22, v6;
	v7 =	vadd.f32 v12, v7;
	v12 =	vld [tilespmem:s1+$0xBBE0]  }
.LBB2_16:
0xdc: {  	p0 =	sne.s32 s31, $0x2EC00;
	v13 =	vld [tilespmem:s30+$0xBBF0];
	v0 =	vadd.f32 v8, v0  }
0xdd: {  	v14 =	vld [tilespmem:s30+$0xBB80];
	v1 =	vadd.f32 v9, v1  }
0xde: {  	v15 =	vld [tilespmem:s30+$0xBB90];
	v2 =	vadd.f32 v10, v2  }
.Ltmp7:
0xdf: {  	v8 =	vld [tilespmem:s30+$0xBBA0];
	v3 =	vadd.f32 v11, v3;
	(pc) =	sbr.rel @p0 .LBB2_16-.Ltmp7, $4  }
0xe0: {  	v9 =	vld [tilespmem:s30+$0xBBB0];
	v4 =	vadd.f32 v12, v4  }
0xe1: {  	v10 =	vld [tilespmem:s30+$0xBBC0];
	v5 =	vadd.f32 v13, v5  }
0xe2: {  	v6 =	vadd.f32 v14, v6;
	v11 =	vld [tilespmem:s30+$0xBBD0]  }
0xe3: {  	v7 =	vadd.f32 v15, v7;
	v12 =	vld [tilespmem:s30+$0xBBE0];
	s30 =	sshra.s32 s31, $0x2;
	s31 =	sadd.s32 $0x200, s31  }
0xe4: {  	v13 =	vld [tilespmem:s30+$0xBBF0]  }
0xe5: {  	v14 =	vld [tilespmem:s30+$0xBB80]  }
0xe6: {  	v15 =	vld [tilespmem:s30+$0xBB90]  }
0xe7: {  	v16 =	vld [tilespmem:s30+$0xBBA0]  }
0xe8: {  	v17 =	vld [tilespmem:s30+$0xBBB0]  }
0xe9: {  	v18 =	vld [tilespmem:s30+$0xBBC0]  }
0xea: {  	v19 =	vld [tilespmem:s30+$0xBBD0];
	s1 =	simm.s32 $0x0  }
0xeb: {  	v20 =	vld [tilespmem:s30+$0xBBE0];
	[tilespmem:s23], [sflag:$0x2] =	stream.linear.gather [hbm4b:s12+s1], $0xBB80, $0x38  }
0xec: {  	_ =	swait.ge [sflag:s24], $0xBB80  }
0xed: {  	[sflag:s24] =	ssyncset.done $0x0  }
0xee: {  	s1 =	simm.s32 $0x0;
	[sflag:s24] =	ssyncadd.s32 $0xFFFF4480  }
0xef: {  	v0 =	vadd.f32 v8, v0;
	v1 =	vadd.f32 v9, v1;
	v21 =	vld [tilespmem:s1+$0x70]  }
0xf0: {  	v2 =	vadd.f32 v10, v2;
	v3 =	vadd.f32 v11, v3;
	v22 =	vld [tilespmem:s1+$0x0]  }
0xf1: {  	v4 =	vadd.f32 v12, v4;
	v5 =	vadd.f32 v13, v5;
	v12 =	vld [tilespmem:s1+$0x10]  }
0xf2: {  	v6 =	vadd.f32 v14, v6;
	v7 =	vadd.f32 v15, v7;
	v8 =	vld [tilespmem:s1+$0x20]  }
0xf3: {  	v0 =	vadd.f32 v16, v0;
	v1 =	vadd.f32 v17, v1;
	v9 =	vld [tilespmem:s1+$0x30]  }
0xf4: {  	v2 =	vadd.f32 v18, v2;
	v3 =	vadd.f32 v19, v3;
	v10 =	vld [tilespmem:s1+$0x40]  }
0xf5: {  	v11 =	vld [tilespmem:s1+$0x50];
	v4 =	vadd.f32 v20, v4;
	v5 =	vadd.f32 v21, v5  }
0xf6: {  	s30 =	simm.s32 $0x80;
	s31 =	simm.s32 $0x400;
	v6 =	vadd.f32 v22, v6;
	v7 =	vadd.f32 v12, v7;
	v12 =	vld [tilespmem:s1+$0x60]  }
.LBB2_18:
0xf7: {  	p0 =	sne.s32 s31, $0x2EC00;
	v13 =	vld [tilespmem:s30+$0x70];
	v0 =	vadd.f32 v8, v0  }
0xf8: {  	v14 =	vld [tilespmem:s30+$0x0];
	v1 =	vadd.f32 v9, v1  }
0xf9: {  	v15 =	vld [tilespmem:s30+$0x10];
	v2 =	vadd.f32 v10, v2  }
.Ltmp8:
0xfa: {  	v8 =	vld [tilespmem:s30+$0x20];
	v3 =	vadd.f32 v11, v3;
	(pc) =	sbr.rel @p0 .LBB2_18-.Ltmp8, $4  }
0xfb: {  	v9 =	vld [tilespmem:s30+$0x30];
	v4 =	vadd.f32 v12, v4  }
0xfc: {  	v10 =	vld [tilespmem:s30+$0x40];
	v5 =	vadd.f32 v13, v5  }
0xfd: {  	v6 =	vadd.f32 v14, v6;
	v11 =	vld [tilespmem:s30+$0x50]  }
0xfe: {  	v7 =	vadd.f32 v15, v7;
	v12 =	vld [tilespmem:s30+$0x60];
	s30 =	sshra.s32 s31, $0x2;
	s31 =	sadd.s32 $0x200, s31  }
0xff: {  	v13 =	vld [tilespmem:s30+$0x70]  }
0x100: {  	v14 =	vld [tilespmem:s30+$0x0]  }
0x101: {  	v15 =	vld [tilespmem:s30+$0x10]  }
0x102: {  	v16 =	vld [tilespmem:s30+$0x20]  }
0x103: {  	v17 =	vld [tilespmem:s30+$0x30]  }
0x104: {  	v18 =	vld [tilespmem:s30+$0x40]  }
0x105: {  	v19 =	vld [tilespmem:s30+$0x50];
	s1 =	simm.s32 $0x0  }
0x106: {  	v20 =	vld [tilespmem:s30+$0x60];
	[tilespmem:s1], [sflag:$0x1] =	stream.linear.gather [hbm4b:s13+s1], $0xBB80, $0x38  }
0x107: {  	_ =	swait.ge [sflag:s25], $0xBB80  }
0x108: {  	[sflag:s25] =	ssyncset.done $0x0  }
0x109: {  	s1 =	simm.s32 $0x0;
	[sflag:s25] =	ssyncadd.s32 $0xFFFF4480  }
0x10a: {  	v0 =	vadd.f32 v8, v0;
	v1 =	vadd.f32 v9, v1;
	v21 =	vld [tilespmem:s1+$0xBBF0]  }
0x10b: {  	v2 =	vadd.f32 v10, v2;
	v3 =	vadd.f32 v11, v3;
	v22 =	vld [tilespmem:s1+$0xBB80]  }
0x10c: {  	v4 =	vadd.f32 v12, v4;
	v5 =	vadd.f32 v13, v5;
	v12 =	vld [tilespmem:s1+$0xBB90]  }
0x10d: {  	v6 =	vadd.f32 v14, v6;
	v7 =	vadd.f32 v15, v7;
	v8 =	vld [tilespmem:s1+$0xBBA0]  }
0x10e: {  	v0 =	vadd.f32 v16, v0;
	v1 =	vadd.f32 v17, v1;
	v9 =	vld [tilespmem:s1+$0xBBB0]  }
0x10f: {  	v2 =	vadd.f32 v18, v2;
	v3 =	vadd.f32 v19, v3;
	v10 =	vld [tilespmem:s1+$0xBBC0]  }
0x110: {  	v11 =	vld [tilespmem:s1+$0xBBD0];
	v4 =	vadd.f32 v20, v4;
	v5 =	vadd.f32 v21, v5  }
0x111: {  	s30 =	simm.s32 $0x80;
	s31 =	simm.s32 $0x400;
	v6 =	vadd.f32 v22, v6;
	v7 =	vadd.f32 v12, v7;
	v12 =	vld [tilespmem:s1+$0xBBE0]  }
.LBB2_20:
0x112: {  	p0 =	sne.s32 s31, $0x2EC00;
	v13 =	vld [tilespmem:s30+$0xBBF0];
	v0 =	vadd.f32 v8, v0  }
0x113: {  	v14 =	vld [tilespmem:s30+$0xBB80];
	v1 =	vadd.f32 v9, v1  }
0x114: {  	v15 =	vld [tilespmem:s30+$0xBB90];
	v2 =	vadd.f32 v10, v2  }
.Ltmp9:
0x115: {  	v8 =	vld [tilespmem:s30+$0xBBA0];
	v3 =	vadd.f32 v11, v3;
	(pc) =	sbr.rel @p0 .LBB2_20-.Ltmp9, $4  }
0x116: {  	v9 =	vld [tilespmem:s30+$0xBBB0];
	v4 =	vadd.f32 v12, v4  }
0x117: {  	v10 =	vld [tilespmem:s30+$0xBBC0];
	v5 =	vadd.f32 v13, v5  }
0x118: {  	v6 =	vadd.f32 v14, v6;
	v11 =	vld [tilespmem:s30+$0xBBD0]  }
0x119: {  	v7 =	vadd.f32 v15, v7;
	v12 =	vld [tilespmem:s30+$0xBBE0];
	s30 =	sshra.s32 s31, $0x2;
	s31 =	sadd.s32 $0x200, s31  }
0x11a: {  	v13 =	vld [tilespmem:s30+$0xBBF0]  }
0x11b: {  	v14 =	vld [tilespmem:s30+$0xBB80]  }
0x11c: {  	v15 =	vld [tilespmem:s30+$0xBB90]  }
0x11d: {  	v16 =	vld [tilespmem:s30+$0xBBA0]  }
0x11e: {  	v17 =	vld [tilespmem:s30+$0xBBB0]  }
0x11f: {  	v18 =	vld [tilespmem:s30+$0xBBC0]  }
0x120: {  	v19 =	vld [tilespmem:s30+$0xBBD0];
	s1 =	simm.s32 $0x0  }
0x121: {  	v20 =	vld [tilespmem:s30+$0xBBE0];
	[tilespmem:s23], [sflag:$0x2] =	stream.linear.gather [hbm4b:s14+s1], $0xBB80, $0x38  }
0x122: {  	_ =	swait.ge [sflag:s24], $0xBB80  }
0x123: {  	[sflag:s24] =	ssyncset.done $0x0  }
0x124: {  	s1 =	simm.s32 $0x0;
	[sflag:s24] =	ssyncadd.s32 $0xFFFF4480  }
0x125: {  	v0 =	vadd.f32 v8, v0;
	v1 =	vadd.f32 v9, v1;
	v21 =	vld [tilespmem:s1+$0x70]  }
0x126: {  	v2 =	vadd.f32 v10, v2;
	v3 =	vadd.f32 v11, v3;
	v22 =	vld [tilespmem:s1+$0x0]  }
0x127: {  	v4 =	vadd.f32 v12, v4;
	v5 =	vadd.f32 v13, v5;
	v12 =	vld [tilespmem:s1+$0x10]  }
0x128: {  	v6 =	vadd.f32 v14, v6;
	v7 =	vadd.f32 v15, v7;
	v8 =	vld [tilespmem:s1+$0x20]  }
0x129: {  	v0 =	vadd.f32 v16, v0;
	v1 =	vadd.f32 v17, v1;
	v9 =	vld [tilespmem:s1+$0x30]  }
0x12a: {  	v2 =	vadd.f32 v18, v2;
	v3 =	vadd.f32 v19, v3;
	v10 =	vld [tilespmem:s1+$0x40]  }
0x12b: {  	v11 =	vld [tilespmem:s1+$0x50];
	v4 =	vadd.f32 v20, v4;
	v5 =	vadd.f32 v21, v5  }
0x12c: {  	s30 =	simm.s32 $0x80;
	s31 =	simm.s32 $0x400;
	v6 =	vadd.f32 v22, v6;
	v7 =	vadd.f32 v12, v7;
	v12 =	vld [tilespmem:s1+$0x60]  }
.LBB2_22:
0x12d: {  	p0 =	sne.s32 s31, $0x2EC00;
	v13 =	vld [tilespmem:s30+$0x70];
	v0 =	vadd.f32 v8, v0  }
0x12e: {  	v14 =	vld [tilespmem:s30+$0x0];
	v1 =	vadd.f32 v9, v1  }
0x12f: {  	v15 =	vld [tilespmem:s30+$0x10];
	v2 =	vadd.f32 v10, v2  }
.Ltmp10:
0x130: {  	v8 =	vld [tilespmem:s30+$0x20];
	v3 =	vadd.f32 v11, v3;
	(pc) =	sbr.rel @p0 .LBB2_22-.Ltmp10, $4  }
0x131: {  	v9 =	vld [tilespmem:s30+$0x30];
	v4 =	vadd.f32 v12, v4  }
0x132: {  	v10 =	vld [tilespmem:s30+$0x40];
	v5 =	vadd.f32 v13, v5  }
0x133: {  	v6 =	vadd.f32 v14, v6;
	v11 =	vld [tilespmem:s30+$0x50]  }
0x134: {  	v7 =	vadd.f32 v15, v7;
	v12 =	vld [tilespmem:s30+$0x60];
	s30 =	sshra.s32 s31, $0x2;
	s31 =	sadd.s32 $0x200, s31  }
0x135: {  	v13 =	vld [tilespmem:s30+$0x70]  }
0x136: {  	v14 =	vld [tilespmem:s30+$0x0]  }
0x137: {  	v15 =	vld [tilespmem:s30+$0x10]  }
0x138: {  	v16 =	vld [tilespmem:s30+$0x20]  }
0x139: {  	v17 =	vld [tilespmem:s30+$0x30]  }
0x13a: {  	v18 =	vld [tilespmem:s30+$0x40]  }
0x13b: {  	v19 =	vld [tilespmem:s30+$0x50];
	s1 =	simm.s32 $0x0  }
0x13c: {  	v20 =	vld [tilespmem:s30+$0x60];
	[tilespmem:s1], [sflag:$0x1] =	stream.linear.gather [hbm4b:s15+s1], $0xBB80, $0x38  }
0x13d: {  	_ =	swait.ge [sflag:s25], $0xBB80  }
0x13e: {  	[sflag:s25] =	ssyncset.done $0x0  }
0x13f: {  	s1 =	simm.s32 $0x0;
	[sflag:s25] =	ssyncadd.s32 $0xFFFF4480  }
0x140: {  	v0 =	vadd.f32 v8, v0;
	v1 =	vadd.f32 v9, v1;
	v21 =	vld [tilespmem:s1+$0xBBF0]  }
0x141: {  	v2 =	vadd.f32 v10, v2;
	v3 =	vadd.f32 v11, v3;
	v22 =	vld [tilespmem:s1+$0xBB80]  }
0x142: {  	v4 =	vadd.f32 v12, v4;
	v5 =	vadd.f32 v13, v5;
	v12 =	vld [tilespmem:s1+$0xBB90]  }
0x143: {  	v6 =	vadd.f32 v14, v6;
	v7 =	vadd.f32 v15, v7;
	v8 =	vld [tilespmem:s1+$0xBBA0]  }
0x144: {  	v0 =	vadd.f32 v16, v0;
	v1 =	vadd.f32 v17, v1;
	v9 =	vld [tilespmem:s1+$0xBBB0]  }
0x145: {  	v2 =	vadd.f32 v18, v2;
	v3 =	vadd.f32 v19, v3;
	v10 =	vld [tilespmem:s1+$0xBBC0]  }
0x146: {  	v11 =	vld [tilespmem:s1+$0xBBD0];
	v4 =	vadd.f32 v20, v4;
	v5 =	vadd.f32 v21, v5  }
0x147: {  	s30 =	simm.s32 $0x80;
	s31 =	simm.s32 $0x400;
	v6 =	vadd.f32 v22, v6;
	v7 =	vadd.f32 v12, v7;
	v12 =	vld [tilespmem:s1+$0xBBE0]  }
.LBB2_24:
0x148: {  	p0 =	sne.s32 s31, $0x2EC00;
	v13 =	vld [tilespmem:s30+$0xBBF0];
	v0 =	vadd.f32 v8, v0  }
0x149: {  	v14 =	vld [tilespmem:s30+$0xBB80];
	v1 =	vadd.f32 v9, v1  }
0x14a: {  	v15 =	vld [tilespmem:s30+$0xBB90];
	v2 =	vadd.f32 v10, v2  }
.Ltmp11:
0x14b: {  	v8 =	vld [tilespmem:s30+$0xBBA0];
	v3 =	vadd.f32 v11, v3;
	(pc) =	sbr.rel @p0 .LBB2_24-.Ltmp11, $4  }
0x14c: {  	v9 =	vld [tilespmem:s30+$0xBBB0];
	v4 =	vadd.f32 v12, v4  }
0x14d: {  	v10 =	vld [tilespmem:s30+$0xBBC0];
	v5 =	vadd.f32 v13, v5  }
0x14e: {  	v6 =	vadd.f32 v14, v6;
	v11 =	vld [tilespmem:s30+$0xBBD0]  }
0x14f: {  	v7 =	vadd.f32 v15, v7;
	v12 =	vld [tilespmem:s30+$0xBBE0];
	s30 =	sshra.s32 s31, $0x2;
	s31 =	sadd.s32 $0x200, s31  }
0x150: {  	v13 =	vld [tilespmem:s30+$0xBBF0]  }
0x151: {  	v14 =	vld [tilespmem:s30+$0xBB80]  }
0x152: {  	v15 =	vld [tilespmem:s30+$0xBB90]  }
0x153: {  	v16 =	vld [tilespmem:s30+$0xBBA0]  }
0x154: {  	v17 =	vld [tilespmem:s30+$0xBBB0]  }
0x155: {  	v18 =	vld [tilespmem:s30+$0xBBC0]  }
0x156: {  	v19 =	vld [tilespmem:s30+$0xBBD0];
	s1 =	simm.s32 $0x0  }
0x157: {  	v20 =	vld [tilespmem:s30+$0xBBE0];
	[tilespmem:s23], [sflag:$0x2] =	stream.linear.gather [hbm4b:s16+s1], $0xBB80, $0x38  }
0x158: {  	_ =	swait.ge [sflag:s24], $0xBB80  }
0x159: {  	[sflag:s24] =	ssyncset.done $0x0  }
0x15a: {  	s1 =	simm.s32 $0x0;
	[sflag:s24] =	ssyncadd.s32 $0xFFFF4480  }
0x15b: {  	v0 =	vadd.f32 v8, v0;
	v1 =	vadd.f32 v9, v1;
	v21 =	vld [tilespmem:s1+$0x70]  }
0x15c: {  	v2 =	vadd.f32 v10, v2;
	v3 =	vadd.f32 v11, v3;
	v22 =	vld [tilespmem:s1+$0x0]  }
0x15d: {  	v4 =	vadd.f32 v12, v4;
	v5 =	vadd.f32 v13, v5;
	v12 =	vld [tilespmem:s1+$0x10]  }
0x15e: {  	v6 =	vadd.f32 v14, v6;
	v7 =	vadd.f32 v15, v7;
	v8 =	vld [tilespmem:s1+$0x20]  }
0x15f: {  	v0 =	vadd.f32 v16, v0;
	v1 =	vadd.f32 v17, v1;
	v9 =	vld [tilespmem:s1+$0x30]  }
0x160: {  	v2 =	vadd.f32 v18, v2;
	v3 =	vadd.f32 v19, v3;
	v10 =	vld [tilespmem:s1+$0x40]  }
0x161: {  	v11 =	vld [tilespmem:s1+$0x50];
	v4 =	vadd.f32 v20, v4;
	v5 =	vadd.f32 v21, v5  }
0x162: {  	s30 =	simm.s32 $0x80;
	s31 =	simm.s32 $0x400;
	v6 =	vadd.f32 v22, v6;
	v7 =	vadd.f32 v12, v7;
	v12 =	vld [tilespmem:s1+$0x60]  }
.LBB2_26:
0x163: {  	p0 =	sne.s32 s31, $0x2EC00;
	v13 =	vld [tilespmem:s30+$0x70];
	v0 =	vadd.f32 v8, v0  }
0x164: {  	v14 =	vld [tilespmem:s30+$0x0];
	v1 =	vadd.f32 v9, v1  }
0x165: {  	v15 =	vld [tilespmem:s30+$0x10];
	v2 =	vadd.f32 v10, v2  }
.Ltmp12:
0x166: {  	v8 =	vld [tilespmem:s30+$0x20];
	v3 =	vadd.f32 v11, v3;
	(pc) =	sbr.rel @p0 .LBB2_26-.Ltmp12, $4  }
0x167: {  	v9 =	vld [tilespmem:s30+$0x30];
	v4 =	vadd.f32 v12, v4  }
0x168: {  	v10 =	vld [tilespmem:s30+$0x40];
	v5 =	vadd.f32 v13, v5  }
0x169: {  	v6 =	vadd.f32 v14, v6;
	v11 =	vld [tilespmem:s30+$0x50]  }
0x16a: {  	v7 =	vadd.f32 v15, v7;
	v12 =	vld [tilespmem:s30+$0x60];
	s30 =	sshra.s32 s31, $0x2;
	s31 =	sadd.s32 $0x200, s31  }
0x16b: {  	v13 =	vld [tilespmem:s30+$0x70]  }
0x16c: {  	v14 =	vld [tilespmem:s30+$0x0]  }
0x16d: {  	v15 =	vld [tilespmem:s30+$0x10]  }
0x16e: {  	v16 =	vld [tilespmem:s30+$0x20]  }
0x16f: {  	v17 =	vld [tilespmem:s30+$0x30]  }
0x170: {  	v18 =	vld [tilespmem:s30+$0x40]  }
0x171: {  	v19 =	vld [tilespmem:s30+$0x50];
	s1 =	simm.s32 $0x0  }
0x172: {  	v20 =	vld [tilespmem:s30+$0x60];
	[tilespmem:s1], [sflag:$0x1] =	stream.linear.gather [hbm4b:s17+s1], $0xBB80, $0x38  }
0x173: {  	_ =	swait.ge [sflag:s25], $0xBB80  }
0x174: {  	[sflag:s25] =	ssyncset.done $0x0  }
0x175: {  	s1 =	simm.s32 $0x0;
	[sflag:s25] =	ssyncadd.s32 $0xFFFF4480  }
0x176: {  	v0 =	vadd.f32 v8, v0;
	v1 =	vadd.f32 v9, v1;
	v21 =	vld [tilespmem:s1+$0xBBF0]  }
0x177: {  	v2 =	vadd.f32 v10, v2;
	v3 =	vadd.f32 v11, v3;
	v22 =	vld [tilespmem:s1+$0xBB80]  }
0x178: {  	v4 =	vadd.f32 v12, v4;
	v5 =	vadd.f32 v13, v5;
	v12 =	vld [tilespmem:s1+$0xBB90]  }
0x179: {  	v6 =	vadd.f32 v14, v6;
	v7 =	vadd.f32 v15, v7;
	v8 =	vld [tilespmem:s1+$0xBBA0]  }
0x17a: {  	v0 =	vadd.f32 v16, v0;
	v1 =	vadd.f32 v17, v1;
	v9 =	vld [tilespmem:s1+$0xBBB0]  }
0x17b: {  	v2 =	vadd.f32 v18, v2;
	v3 =	vadd.f32 v19, v3;
	v10 =	vld [tilespmem:s1+$0xBBC0]  }
0x17c: {  	v11 =	vld [tilespmem:s1+$0xBBD0];
	v4 =	vadd.f32 v20, v4;
	v5 =	vadd.f32 v21, v5  }
0x17d: {  	s30 =	simm.s32 $0x80;
	s31 =	simm.s32 $0x400;
	v6 =	vadd.f32 v22, v6;
	v7 =	vadd.f32 v12, v7;
	v12 =	vld [tilespmem:s1+$0xBBE0]  }
.LBB2_28:
0x17e: {  	p0 =	sne.s32 s31, $0x2EC00;
	v13 =	vld [tilespmem:s30+$0xBBF0];
	v0 =	vadd.f32 v8, v0  }
0x17f: {  	v14 =	vld [tilespmem:s30+$0xBB80];
	v1 =	vadd.f32 v9, v1  }
0x180: {  	v15 =	vld [tilespmem:s30+$0xBB90];
	v2 =	vadd.f32 v10, v2  }
.Ltmp13:
0x181: {  	v8 =	vld [tilespmem:s30+$0xBBA0];
	v3 =	vadd.f32 v11, v3;
	(pc) =	sbr.rel @p0 .LBB2_28-.Ltmp13, $4  }
0x182: {  	v9 =	vld [tilespmem:s30+$0xBBB0];
	v4 =	vadd.f32 v12, v4  }
0x183: {  	v10 =	vld [tilespmem:s30+$0xBBC0];
	v5 =	vadd.f32 v13, v5  }
0x184: {  	v6 =	vadd.f32 v14, v6;
	v11 =	vld [tilespmem:s30+$0xBBD0]  }
0x185: {  	v7 =	vadd.f32 v15, v7;
	v12 =	vld [tilespmem:s30+$0xBBE0];
	s30 =	sshra.s32 s31, $0x2;
	s31 =	sadd.s32 $0x200, s31  }
0x186: {  	v13 =	vld [tilespmem:s30+$0xBBF0]  }
0x187: {  	v14 =	vld [tilespmem:s30+$0xBB80]  }
0x188: {  	v15 =	vld [tilespmem:s30+$0xBB90]  }
0x189: {  	v16 =	vld [tilespmem:s30+$0xBBA0]  }
0x18a: {  	v17 =	vld [tilespmem:s30+$0xBBB0]  }
0x18b: {  	v18 =	vld [tilespmem:s30+$0xBBC0]  }
0x18c: {  	v19 =	vld [tilespmem:s30+$0xBBD0];
	s1 =	simm.s32 $0x0  }
0x18d: {  	v20 =	vld [tilespmem:s30+$0xBBE0];
	[tilespmem:s23], [sflag:$0x2] =	stream.linear.gather [hbm4b:s18+s1], $0xBB80, $0x38  }
0x18e: {  	_ =	swait.ge [sflag:s24], $0xBB80  }
0x18f: {  	[sflag:s24] =	ssyncset.done $0x0  }
0x190: {  	s1 =	simm.s32 $0x0;
	[sflag:s24] =	ssyncadd.s32 $0xFFFF4480  }
0x191: {  	v0 =	vadd.f32 v8, v0;
	v1 =	vadd.f32 v9, v1;
	v21 =	vld [tilespmem:s1+$0x70]  }
0x192: {  	v2 =	vadd.f32 v10, v2;
	v3 =	vadd.f32 v11, v3;
	v22 =	vld [tilespmem:s1+$0x0]  }
0x193: {  	v4 =	vadd.f32 v12, v4;
	v5 =	vadd.f32 v13, v5;
	v12 =	vld [tilespmem:s1+$0x10]  }
0x194: {  	v6 =	vadd.f32 v14, v6;
	v7 =	vadd.f32 v15, v7;
	v8 =	vld [tilespmem:s1+$0x20]  }
0x195: {  	v0 =	vadd.f32 v16, v0;
	v1 =	vadd.f32 v17, v1;
	v9 =	vld [tilespmem:s1+$0x30]  }
0x196: {  	v2 =	vadd.f32 v18, v2;
	v3 =	vadd.f32 v19, v3;
	v10 =	vld [tilespmem:s1+$0x40]  }
0x197: {  	v11 =	vld [tilespmem:s1+$0x50];
	v4 =	vadd.f32 v20, v4;
	v5 =	vadd.f32 v21, v5  }
0x198: {  	s30 =	simm.s32 $0x80;
	s31 =	simm.s32 $0x400;
	v6 =	vadd.f32 v22, v6;
	v7 =	vadd.f32 v12, v7;
	v12 =	vld [tilespmem:s1+$0x60]  }
.LBB2_30:
0x199: {  	p0 =	sne.s32 s31, $0x2EC00;
	v13 =	vld [tilespmem:s30+$0x70];
	v0 =	vadd.f32 v8, v0  }
0x19a: {  	v14 =	vld [tilespmem:s30+$0x0];
	v1 =	vadd.f32 v9, v1  }
0x19b: {  	v15 =	vld [tilespmem:s30+$0x10];
	v2 =	vadd.f32 v10, v2  }
.Ltmp14:
0x19c: {  	v8 =	vld [tilespmem:s30+$0x20];
	v3 =	vadd.f32 v11, v3;
	(pc) =	sbr.rel @p0 .LBB2_30-.Ltmp14, $4  }
0x19d: {  	v9 =	vld [tilespmem:s30+$0x30];
	v4 =	vadd.f32 v12, v4  }
0x19e: {  	v10 =	vld [tilespmem:s30+$0x40];
	v5 =	vadd.f32 v13, v5  }
0x19f: {  	v6 =	vadd.f32 v14, v6;
	v11 =	vld [tilespmem:s30+$0x50]  }
0x1a0: {  	v7 =	vadd.f32 v15, v7;
	v12 =	vld [tilespmem:s30+$0x60];
	s30 =	sshra.s32 s31, $0x2;
	s31 =	sadd.s32 $0x200, s31  }
0x1a1: {  	v13 =	vld [tilespmem:s30+$0x70]  }
0x1a2: {  	v14 =	vld [tilespmem:s30+$0x0]  }
0x1a3: {  	v15 =	vld [tilespmem:s30+$0x10]  }
0x1a4: {  	v16 =	vld [tilespmem:s30+$0x20]  }
0x1a5: {  	v17 =	vld [tilespmem:s30+$0x30]  }
0x1a6: {  	v18 =	vld [tilespmem:s30+$0x40]  }
0x1a7: {  	v19 =	vld [tilespmem:s30+$0x50];
	s1 =	simm.s32 $0x0  }
0x1a8: {  	v20 =	vld [tilespmem:s30+$0x60];
	[tilespmem:s1], [sflag:$0x1] =	stream.linear.gather [hbm4b:s19+s1], $0xBB80, $0x38  }
0x1a9: {  	_ =	swait.ge [sflag:s25], $0xBB80  }
0x1aa: {  	[sflag:s25] =	ssyncset.done $0x0  }
0x1ab: {  	s1 =	simm.s32 $0x0;
	[sflag:s25] =	ssyncadd.s32 $0xFFFF4480  }
0x1ac: {  	v0 =	vadd.f32 v8, v0;
	v1 =	vadd.f32 v9, v1;
	v21 =	vld [tilespmem:s1+$0xBBF0]  }
0x1ad: {  	v2 =	vadd.f32 v10, v2;
	v3 =	vadd.f32 v11, v3;
	v22 =	vld [tilespmem:s1+$0xBB80]  }
0x1ae: {  	v4 =	vadd.f32 v12, v4;
	v5 =	vadd.f32 v13, v5;
	v12 =	vld [tilespmem:s1+$0xBB90]  }
0x1af: {  	v6 =	vadd.f32 v14, v6;
	v7 =	vadd.f32 v15, v7;
	v8 =	vld [tilespmem:s1+$0xBBA0]  }
0x1b0: {  	v0 =	vadd.f32 v16, v0;
	v1 =	vadd.f32 v17, v1;
	v9 =	vld [tilespmem:s1+$0xBBB0]  }
0x1b1: {  	v2 =	vadd.f32 v18, v2;
	v3 =	vadd.f32 v19, v3;
	v10 =	vld [tilespmem:s1+$0xBBC0]  }
0x1b2: {  	v11 =	vld [tilespmem:s1+$0xBBD0];
	v4 =	vadd.f32 v20, v4;
	v5 =	vadd.f32 v21, v5  }
0x1b3: {  	s30 =	simm.s32 $0x80;
	s31 =	simm.s32 $0x400;
	v6 =	vadd.f32 v22, v6;
	v7 =	vadd.f32 v12, v7;
	v12 =	vld [tilespmem:s1+$0xBBE0]  }
.LBB2_32:
0x1b4: {  	p0 =	sne.s32 s31, $0x2EC00;
	v13 =	vld [tilespmem:s30+$0xBBF0];
	v0 =	vadd.f32 v8, v0  }
0x1b5: {  	v14 =	vld [tilespmem:s30+$0xBB80];
	v1 =	vadd.f32 v9, v1  }
0x1b6: {  	v15 =	vld [tilespmem:s30+$0xBB90];
	v2 =	vadd.f32 v10, v2  }
.Ltmp15:
0x1b7: {  	v8 =	vld [tilespmem:s30+$0xBBA0];
	v3 =	vadd.f32 v11, v3;
	(pc) =	sbr.rel @p0 .LBB2_32-.Ltmp15, $4  }
0x1b8: {  	v9 =	vld [tilespmem:s30+$0xBBB0];
	v4 =	vadd.f32 v12, v4  }
0x1b9: {  	v10 =	vld [tilespmem:s30+$0xBBC0];
	v5 =	vadd.f32 v13, v5  }
0x1ba: {  	v6 =	vadd.f32 v14, v6;
	v11 =	vld [tilespmem:s30+$0xBBD0]  }
0x1bb: {  	v7 =	vadd.f32 v15, v7;
	v12 =	vld [tilespmem:s30+$0xBBE0];
	s30 =	sshra.s32 s31, $0x2;
	s31 =	sadd.s32 $0x200, s31  }
0x1bc: {  	v13 =	vld [tilespmem:s30+$0xBBF0]  }
0x1bd: {  	v14 =	vld [tilespmem:s30+$0xBB80]  }
0x1be: {  	v15 =	vld [tilespmem:s30+$0xBB90]  }
0x1bf: {  	v16 =	vld [tilespmem:s30+$0xBBA0]  }
0x1c0: {  	v17 =	vld [tilespmem:s30+$0xBBB0]  }
0x1c1: {  	v18 =	vld [tilespmem:s30+$0xBBC0]  }
0x1c2: {  	v19 =	vld [tilespmem:s30+$0xBBD0];
	s1 =	simm.s32 $0x0  }
0x1c3: {  	v20 =	vld [tilespmem:s30+$0xBBE0];
	[tilespmem:s23], [sflag:$0x2] =	stream.linear.gather [hbm4b:s20+s1], $0xBB80, $0x38  }
0x1c4: {  	_ =	swait.ge [sflag:s24], $0xBB80  }
0x1c5: {  	[sflag:s24] =	ssyncset.done $0x0  }
0x1c6: {  	s1 =	simm.s32 $0x0;
	[sflag:s24] =	ssyncadd.s32 $0xFFFF4480  }
0x1c7: {  	v0 =	vadd.f32 v8, v0;
	v1 =	vadd.f32 v9, v1;
	v21 =	vld [tilespmem:s1+$0x70]  }
0x1c8: {  	v2 =	vadd.f32 v10, v2;
	v3 =	vadd.f32 v11, v3;
	v22 =	vld [tilespmem:s1+$0x0]  }
0x1c9: {  	v4 =	vadd.f32 v12, v4;
	v5 =	vadd.f32 v13, v5;
	v12 =	vld [tilespmem:s1+$0x10]  }
0x1ca: {  	v6 =	vadd.f32 v14, v6;
	v7 =	vadd.f32 v15, v7;
	v8 =	vld [tilespmem:s1+$0x20]  }
0x1cb: {  	v0 =	vadd.f32 v16, v0;
	v1 =	vadd.f32 v17, v1;
	v9 =	vld [tilespmem:s1+$0x30]  }
0x1cc: {  	v2 =	vadd.f32 v18, v2;
	v3 =	vadd.f32 v19, v3;
	v10 =	vld [tilespmem:s1+$0x40]  }
0x1cd: {  	v11 =	vld [tilespmem:s1+$0x50];
	v4 =	vadd.f32 v20, v4;
	v5 =	vadd.f32 v21, v5  }
0x1ce: {  	s30 =	simm.s32 $0x80;
	s31 =	simm.s32 $0x400;
	v6 =	vadd.f32 v22, v6;
	v7 =	vadd.f32 v12, v7;
	v12 =	vld [tilespmem:s1+$0x60]  }
.LBB2_34:
0x1cf: {  	p0 =	sne.s32 s31, $0x2EC00;
	v13 =	vld [tilespmem:s30+$0x70];
	v0 =	vadd.f32 v8, v0  }
0x1d0: {  	v14 =	vld [tilespmem:s30+$0x0];
	v1 =	vadd.f32 v9, v1  }
0x1d1: {  	v15 =	vld [tilespmem:s30+$0x10];
	v2 =	vadd.f32 v10, v2  }
.Ltmp16:
0x1d2: {  	v8 =	vld [tilespmem:s30+$0x20];
	v3 =	vadd.f32 v11, v3;
	(pc) =	sbr.rel @p0 .LBB2_34-.Ltmp16, $4  }
0x1d3: {  	v9 =	vld [tilespmem:s30+$0x30];
	v4 =	vadd.f32 v12, v4  }
0x1d4: {  	v10 =	vld [tilespmem:s30+$0x40];
	v5 =	vadd.f32 v13, v5  }
0x1d5: {  	v6 =	vadd.f32 v14, v6;
	v11 =	vld [tilespmem:s30+$0x50]  }
0x1d6: {  	v7 =	vadd.f32 v15, v7;
	v12 =	vld [tilespmem:s30+$0x60];
	s30 =	sshra.s32 s31, $0x2;
	s31 =	sadd.s32 $0x200, s31  }
0x1d7: {  	v13 =	vld [tilespmem:s30+$0x70]  }
0x1d8: {  	v14 =	vld [tilespmem:s30+$0x0]  }
0x1d9: {  	v15 =	vld [tilespmem:s30+$0x10]  }
0x1da: {  	v16 =	vld [tilespmem:s30+$0x20]  }
0x1db: {  	v17 =	vld [tilespmem:s30+$0x30]  }
0x1dc: {  	v18 =	vld [tilespmem:s30+$0x40]  }
0x1dd: {  	v19 =	vld [tilespmem:s30+$0x50]  }
0x1de: {  	v20 =	vld [tilespmem:s30+$0x60];
	_ =	swait.ge [sflag:s25], $0xBB80  }
0x1df: {  	[sflag:s25] =	ssyncset.done $0x0  }
0x1e0: {  	s1 =	simm.s32 $0x0;
	[sflag:s25] =	ssyncadd.s32 $0xFFFF4480  }
0x1e1: {  	v0 =	vadd.f32 v8, v0;
	v1 =	vadd.f32 v9, v1;
	v9 =	vld [tilespmem:s1+$0xBBF0]  }
0x1e2: {  	v2 =	vadd.f32 v10, v2;
	v8 =	vadd.f32 v11, v3;
	v10 =	vld [tilespmem:s1+$0xBB80]  }
0x1e3: {  	v11 =	vadd.f32 v12, v4;
	v12 =	vadd.f32 v13, v5;
	v13 =	vld [tilespmem:s1+$0xBB90]  }
0x1e4: {  	v14 =	vadd.f32 v14, v6;
	v15 =	vadd.f32 v15, v7;
	v6 =	vld [tilespmem:s1+$0xBBA0]  }
0x1e5: {  	v5 =	vadd.f32 v16, v0;
	v4 =	vadd.f32 v17, v1;
	v7 =	vld [tilespmem:s1+$0xBBB0]  }
0x1e6: {  	v3 =	vadd.f32 v18, v2;
	v2 =	vadd.f32 v19, v8;
	v8 =	vld [tilespmem:s1+$0xBBC0]  }
0x1e7: {  	v1 =	vadd.f32 v20, v11;
	v0 =	vadd.f32 v9, v12;
	v9 =	vld [tilespmem:s1+$0xBBD0]  }
0x1e8: {  	s30 =	simm.s32 $0x80;
	s31 =	simm.s32 $0x400;
	v10 =	vadd.f32 v10, v14;
	v12 =	vld [tilespmem:s1+$0xBBE0];
	v11 =	vadd.f32 v13, v15  }
.LBB2_36:
0x1e9: {  	p0 =	sne.s32 s31, $0x2EC00;
	v13 =	vld [tilespmem:s30+$0xBBF0];
	v5 =	vadd.f32 v6, v5  }
0x1ea: {  	v14 =	vld [tilespmem:s30+$0xBB80];
	v4 =	vadd.f32 v7, v4  }
0x1eb: {  	v15 =	vld [tilespmem:s30+$0xBB90];
	v3 =	vadd.f32 v8, v3  }
.Ltmp17:
0x1ec: {  	v6 =	vld [tilespmem:s30+$0xBBA0];
	v2 =	vadd.f32 v9, v2;
	(pc) =	sbr.rel @p0 .LBB2_36-.Ltmp17, $4  }
0x1ed: {  	v7 =	vld [tilespmem:s30+$0xBBB0];
	v1 =	vadd.f32 v12, v1  }
0x1ee: {  	v8 =	vld [tilespmem:s30+$0xBBC0];
	v0 =	vadd.f32 v13, v0  }
0x1ef: {  	v10 =	vadd.f32 v14, v10;
	v9 =	vld [tilespmem:s30+$0xBBD0]  }
0x1f0: {  	v11 =	vadd.f32 v15, v11;
	v12 =	vld [tilespmem:s30+$0xBBE0];
	s30 =	sshra.s32 s31, $0x2;
	s31 =	sadd.s32 $0x200, s31  }
0x1f1: {  	v14 =	vld [tilespmem:s30+$0xBB80]  }
0x1f2: {  	v15 =	vld [tilespmem:s30+$0xBB90]  }
0x1f3: {  	v16 =	vld [tilespmem:s30+$0xBBA0]  }
0x1f4: {  	v17 =	vld [tilespmem:s30+$0xBBB0]  }
0x1f5: {  	v18 =	vld [tilespmem:s30+$0xBBC0]  }
0x1f6: {  	v5 =	vadd.f32 v6, v5;
	v61 =	vld [tilespmem:s30+$0xBBD0];
	v60 =	vadd.f32 v14, v10  }
0x1f7: {  	v13 =	vld [tilespmem:s30+$0xBBF0];
	v4 =	vadd.f32 v7, v4;
	v62 =	vadd.f32 v15, v11  }
0x1f8: {  	v63 =	vld [tilespmem:s30+$0xBBE0];
	v3 =	vadd.f32 v8, v3;
	v5 =	vadd.f32 v16, v5;
	[tilespmem:$0x17700] =	vst v60  }
0x1f9: {  	v2 =	vadd.f32 v9, v2;
	v4 =	vadd.f32 v17, v4;
	[tilespmem:$0x17710] =	vst v62  }
0x1fa: {  	v3 =	vadd.f32 v18, v3;
	[tilespmem:$0x17720] =	vst v5  }
0x1fb: {  	v1 =	vadd.f32 v12, v1;
	v2 =	vadd.f32 v61, v2;
	[tilespmem:$0x17730] =	vst v4  }
0x1fc: {  	v0 =	vadd.f32 v13, v0;
	[tilespmem:$0x17740] =	vst v3  }
0x1fd: {  	s29 =	sadd.s32 $0x1, s29;
	v1 =	vadd.f32 v63, v1;
	[tilespmem:$0x17750] =	vst v2  }
0x1fe: {  	p0 =	sne.s32 s29, s22;
	[tilespmem:$0x17770] =	vst v0  }
.Ltmp18:
0x1ff: {  	[tilespmem:$0x17760] =	vst v1;
	(pc) =	sbr.rel @p0 .LBB2_1-.Ltmp18, $4  }
0x200: {  	[hbm4b:s21+s2] =	stream.linear.scatter [tilespmem:s26], [sflag:$0x3], $0x80, $0x38;
	[tilespmem:$0x17780] =	vst v63  }
0x201: {  	_ =	swait.ge [sflag:s28], $0x80  }
0x202: {  	[sflag:s28] =	ssyncset.done $0x0  }
0x203: {  	[sflag:s28] =	ssyncadd.s32 $0xFFFFFF80  }
0x204: {  	_ =	sfence.sel $0x180000  }
0x205: {  	[bflag:$0x0] =	sbarrier.arrive $0xFFFF  }
0x206: {  	_ =	strace $0x90000047  }
0x207: {  	[bflag:$0x2] =	sbarrier.arrive $0xFFFF  }
0x208: {  	p0 =	sne.s32 s0, $0x0;
	s0 =	rddreg [dreg:$0x2]  }
0x209: {  	s0 =	sadd.s32 @!p0 $0x100000, s0  }
0x20a: {  	[sflag:s0] =	ssyncadd.tile.s32 @!p0 $0x1;
	_ =	shalt  }
.Lfunc_end2:
_tile_overlayer_lowered:
.L_overlay_start_2:
0x20b: {  	(tag) =	ssettag $0x2  }
0x20c: {  	s0 =	rddreg [dreg:$0x0];
	s2 =	stileid.u32  }
0x20d: {  	s1 =	rddreg [dreg:$0x1];
	p0 =	sne.s32 s2, $0x0  }
0x20e: {  	s3 =	rddreg [dreg:$0x2];
	[bflag:$0x3] =	sbarrier.arrive $0xFFFF;
	s2 =	simm.s32 @!p0 $0x1C03  }
0x20f: {  	[timem:s3], [sflag:s2] =	dma.local @!p0 [hbm:s0], s1  }
0x210: {  	s0 =	simm.s32 @!p0 $0x3  }
0x211: {  	_ =	swait.ge @!p0 [sflag:s0], s1  }
0x212: {  	s1 =	ssub.s32 @!p0 $0x0, s1;
	[sflag:s0] =	ssyncset.done @!p0 $0x0  }
0x213: {  	[sflag:s0] =	ssyncadd.s32 @!p0 s1  }
0x214: {  	[bflag:$0x3] =	sbarrier.arrive $0xFFFF  }
0x215: {  	_ =	shalt  }

</sc_bundles>
